<compile_context>
chip_gen: v7x
topology: tpu7x:2x2x1
jax: 0.10.2.dev20260603
libtpu: 0.0.44.dev20260713+nightly
codegen_flags: <defaults>
</compile_context>

<pallas_src>
import functools

import jax
import jax.numpy as jnp
from jax import lax
from jax.experimental import pallas as pl
from jax.experimental.pallas import tpu as pltpu
from jax.experimental.pallas import tpu_sc as plsc

NUM_FIELDS = 26
VOCAB = 100000
EMB = 32
BATCH = 16384

NC = 2
NS = 16
NW = NC * NS
ROWS_PER_W = BATCH // NW
IDX_PER_W = NUM_FIELDS * ROWS_PER_W
CHUNK = 16
N_CHUNKS = ROWS_PER_W // CHUNK
LANES = 16
ROW_W = 128
VOC4 = VOCAB // 4

TCOLS = 32768
LOG_TCOLS = 15
TBLK = TCOLS // 4
LOG_TBLK = 13
NCB = -(-VOCAB // TCOLS)
LPF = NCB * TBLK


def _tc_repack():
    def body(tabt_ref, out_ref):
        blk = tabt_ref[0]
        stacked = jnp.concatenate(
            [blk[:, a * TBLK:(a + 1) * TBLK] for a in range(4)], axis=0
        )
        out_ref[0] = lax.dot_general(
            stacked,
            jnp.eye(ROW_W, dtype=jnp.float32),
            (((0,), (0,)), ((), ())),
        )

    return pl.pallas_call(
        body,
        grid=(NUM_FIELDS, NCB),
        in_specs=[
            pl.BlockSpec((1, EMB, TCOLS), lambda f, c: (f, 0, c)),
        ],
        out_specs=pl.BlockSpec((1, TBLK, ROW_W), lambda f, c: (f, c, 0)),
        out_shape=jax.ShapeDtypeStruct((NUM_FIELDS, LPF, ROW_W), jnp.float32),
    )


def _make_sc_kernel():
    mesh = plsc.VectorSubcoreMesh(core_axis_name="c", subcore_axis_name="s")

    @functools.partial(
        pl.kernel,
        out_type=jax.ShapeDtypeStruct((BATCH * EMB,), jnp.float32),
        mesh=mesh,
        compiler_params=pltpu.CompilerParams(use_tc_tiling_on_sc=True),
        scratch_types=[
            pltpu.VMEM((IDX_PER_W,), jnp.int32),
            pltpu.VMEM((IDX_PER_W + LANES,), jnp.int32),
            pltpu.VMEM((NUM_FIELDS, CHUNK, ROW_W), jnp.float32),
            pltpu.VMEM((CHUNK * EMB,), jnp.float32),
            pltpu.SemaphoreType.DMA,
        ],
    )
    def k(ftab_hbm, xf_hbm, xr_hbm, out_hbm, idxg, sub, buf, acc, sem):
        wid = lax.axis_index("s") * NC + lax.axis_index("c")

        cp1 = pltpu.async_copy(
            xf_hbm.at[pl.ds(wid * IDX_PER_W, IDX_PER_W)], idxg, sem
        )
        cp2 = pltpu.async_copy(
            xr_hbm.at[pl.ds(wid * IDX_PER_W, IDX_PER_W)],
            sub.at[pl.ds(0, IDX_PER_W)],
            sem,
        )
        cp1.wait()
        cp2.wait()

        @pl.loop(0, IDX_PER_W // LANES)
        def _prep(c):
            sl = pl.ds(c * LANES, LANES)
            f = (c * LANES) // ROWS_PER_W
            v = idxg[sl]
            r = v & (TCOLS - 1)
            idxg[sl] = ((v >> LOG_TCOLS) << LOG_TBLK) + (r & (TBLK - 1)) + f * LPF
            vr = sub[sl] & (TCOLS - 1)
            sub[sl] = (vr >> LOG_TBLK) << 5

        @pl.loop(0, N_CHUNKS)
        def _chunk(g):
            base = pl.multiple_of(g * CHUNK, CHUNK)
            copies = []
            for f in range(NUM_FIELDS):
                copies.append(
                    pltpu.async_copy(
                        ftab_hbm.at[idxg.at[pl.ds(f * ROWS_PER_W + base, CHUNK)]],
                        buf.at[f],
                        sem,
                    )
                )
            for c in copies:
                c.wait()

            @pl.loop(0, CHUNK)
            def _row(r):
                rbase = (base + r) * NUM_FIELDS
                sv0 = sub[pl.ds(rbase, LANES)]
                sv1 = sub[pl.ds(rbase + LANES, LANES)]
                offs = [sv0[f] for f in range(LANES)] + [
                    sv1[f - LANES] for f in range(LANES, NUM_FIELDS)
                ]
                for half in range(EMB // LANES):
                    t = None
                    for f in range(NUM_FIELDS):
                        piece = buf[f, r, pl.ds(offs[f] + half * LANES, LANES)]
                        t = piece if t is None else t + piece
                    acc[pl.ds(r * EMB + half * LANES, LANES)] = t

            pltpu.sync_copy(
                acc,
                out_hbm.at[pl.ds(wid * (ROWS_PER_W * EMB) + base * EMB, CHUNK * EMB)],
            )

    return k


_repack = _tc_repack()
_sc_kernel = _make_sc_kernel()


@jax.jit
def kernel(x, tables):
    tabt = tables.transpose(0, 2, 1)
    ftab = _repack(tabt).reshape(NUM_FIELDS * LPF, ROW_W)
    xi = x.astype(jnp.int32)
    xf = xi.reshape(NW, ROWS_PER_W, NUM_FIELDS).transpose(0, 2, 1).reshape(-1)
    xr = xi.reshape(-1)
    out = _sc_kernel(ftab, xf, xr)
    return out.reshape(BATCH, EMB)

# --- scband reference (transcript-rebuilt; emitter-appended) ---
"""Pipeline reference for scband-atom-encoder-8899172237440 (READ-ONLY COPY).

The authoritative reference and input builder live on the scoring server;
editing this copy changes nothing except your own understanding.
"""

import jax, jax.numpy as jnp
import numpy as np

NUM_FIELDS = 26
VOCAB = 100000
EMB_DIM = 32
BATCH = 16384


def setup_inputs(seed: int = 0) -> dict:
    key = jax.random.key(seed)
    kx, kt = jax.random.split(key)
    # categorical indices, one column per sparse field
    x = jax.random.randint(kx, (BATCH, NUM_FIELDS), 0, VOCAB)
    # 26 embedding tables, xavier-uniform initialized, stacked into one array
    bound = float(np.sqrt(6.0 / (VOCAB + EMB_DIM)))
    tables = jax.random.uniform(
        kt, (NUM_FIELDS, VOCAB, EMB_DIM), minval=-bound, maxval=bound, dtype=jnp.float32
    )
    return {"x": x, "tables": tables}


def reference(x, tables):
    # AtomEncoder.forward: sum of per-field embedding lookups.
    # num_scalar_features == 0, so no linear branch.
    out = jnp.zeros((x.shape[0], tables.shape[2]), dtype=tables.dtype)
    for i in range(NUM_FIELDS):
        out = out + jnp.take(tables[i], x[:, i], axis=0)
    return out

if __name__ == "__main__":
    import jax
    _d = setup_inputs()
    print(jax.jit(kernel)(*tuple(_d.values())))

</pallas_src>

<mosaic_0001>
#map = affine_map<(d0, d1) -> (0, 0)>
#map1 = affine_map<(d0, d1) -> (0)>
module attributes {stable_mosaic.version = 14 : i64} {
  func.func @k(%arg0: i32, %arg1: i32, %arg2: memref<851968x128xf32, #tpu.memory_space<hbm>>, %arg3: memref<425984xi32, #tpu.memory_space<hbm>>, %arg4: memref<425984xi32, #tpu.memory_space<hbm>>, %arg5: memref<524288xf32, #tpu.memory_space<hbm>>, %arg6: memref<13312xi32, #tpu.memory_space<vmem>>, %arg7: memref<13328xi32, #tpu.memory_space<vmem>>, %arg8: memref<26x16x128xf32, #tpu.memory_space<vmem>>, %arg9: memref<512xf32, #tpu.memory_space<vmem>>, %arg10: memref<!tpu.dma_semaphore, #tpu.memory_space<semaphore_mem>>) attributes {dimension_semantics = [#tpu.dimension_semantics<core_parallel>, #tpu.dimension_semantics<subcore_parallel>], iteration_bounds = array<i64: 2, 16>, scalar_prefetch = 0 : i64, scratch_operands = 5 : i64, tpu.core_type = #tpu.core_type<sc_vector_subcore>, window_params = [{transform_indices = #map}, {transform_indices = #map1}, {transform_indices = #map1}, {transform_indices = #map1}]} {
    %mul3A = arith.constant 2 : i32
    %mul3A_0 = arith.muli %arg1, %mul3A : i32
    %add3A = arith.addi %mul3A_0, %arg0 : i32
    %mul3A_1 = arith.constant 13312 : i32
    %mul3A_2 = arith.muli %add3A, %mul3A_1 : i32
    %dma_start3A = tpu.memref_slice %arg3[%mul3A_2] : memref<425984xi32, #tpu.memory_space<hbm>> -> memref<13312xi32, #tpu.memory_space<hbm>>
    %dma_start3A_3 = tpu.memref_slice %arg3[%mul3A_2] : memref<425984xi32, #tpu.memory_space<hbm>> -> memref<13312xi32, #tpu.memory_space<hbm>>
    tpu.enqueue_dma source(%dma_start3A_3 : memref<13312xi32, #tpu.memory_space<hbm>>) target(%arg6 : memref<13312xi32, #tpu.memory_space<vmem>>) target_semaphore(%arg10 : memref<!tpu.dma_semaphore, #tpu.memory_space<semaphore_mem>>)
    %mul3A_4 = arith.constant 13312 : i32
    %mul3A_5 = arith.muli %add3A, %mul3A_4 : i32
    %dma_start3A_6 = arith.constant 0 : i32
    %dma_start3A_7 = tpu.memref_slice %arg7[%dma_start3A_6] : memref<13328xi32, #tpu.memory_space<vmem>> -> memref<13312xi32, #tpu.memory_space<vmem>>
    %dma_start3A_8 = tpu.memref_slice %arg4[%mul3A_5] : memref<425984xi32, #tpu.memory_space<hbm>> -> memref<13312xi32, #tpu.memory_space<hbm>>
    %dma_start3A_9 = arith.constant 0 : i32
    %dma_start3A_10 = tpu.memref_slice %arg7[%dma_start3A_9] : memref<13328xi32, #tpu.memory_space<vmem>> -> memref<13312xi32, #tpu.memory_space<vmem>>
    %dma_start3A_11 = tpu.memref_slice %arg4[%mul3A_5] : memref<425984xi32, #tpu.memory_space<hbm>> -> memref<13312xi32, #tpu.memory_space<hbm>>
    tpu.enqueue_dma source(%dma_start3A_11 : memref<13312xi32, #tpu.memory_space<hbm>>) target(%dma_start3A_10 : memref<13312xi32, #tpu.memory_space<vmem>>) target_semaphore(%arg10 : memref<!tpu.dma_semaphore, #tpu.memory_space<semaphore_mem>>)
    %dma_wait3A = tpu.memref_slice %arg3[%mul3A_2] : memref<425984xi32, #tpu.memory_space<hbm>> -> memref<13312xi32, #tpu.memory_space<hbm>>
    %dma_wait3A_12 = tpu.memref_slice %arg3[%mul3A_2] : memref<425984xi32, #tpu.memory_space<hbm>> -> memref<13312xi32, #tpu.memory_space<hbm>>
    tpu.wait_dma2 semaphore(%arg10 : memref<!tpu.dma_semaphore, #tpu.memory_space<semaphore_mem>>) src(%dma_wait3A_12 : memref<13312xi32, #tpu.memory_space<hbm>>) dst(%arg6 : memref<13312xi32, #tpu.memory_space<vmem>>)
    %dma_wait3A_13 = arith.constant 0 : i32
    %dma_wait3A_14 = tpu.memref_slice %arg7[%dma_wait3A_13] : memref<13328xi32, #tpu.memory_space<vmem>> -> memref<13312xi32, #tpu.memory_space<vmem>>
    %dma_wait3A_15 = tpu.memref_slice %arg4[%mul3A_5] : memref<425984xi32, #tpu.memory_space<hbm>> -> memref<13312xi32, #tpu.memory_space<hbm>>
    %dma_wait3A_16 = arith.constant 0 : i32
    %dma_wait3A_17 = tpu.memref_slice %arg7[%dma_wait3A_16] : memref<13328xi32, #tpu.memory_space<vmem>> -> memref<13312xi32, #tpu.memory_space<vmem>>
    %dma_wait3A_18 = tpu.memref_slice %arg4[%mul3A_5] : memref<425984xi32, #tpu.memory_space<hbm>> -> memref<13312xi32, #tpu.memory_space<hbm>>
    tpu.wait_dma2 semaphore(%arg10 : memref<!tpu.dma_semaphore, #tpu.memory_space<semaphore_mem>>) src(%dma_wait3A_18 : memref<13312xi32, #tpu.memory_space<hbm>>) dst(%dma_wait3A_17 : memref<13312xi32, #tpu.memory_space<vmem>>)
    %scan3A = arith.constant 0 : i32
    %scan3A_19 = arith.constant 832 : i32
    %scan3A_20 = arith.addi %scan3A, %scan3A_19 : i32
    %scan3A_21 = arith.constant 1 : i32
    scf.for %scan3A_28 = %scan3A to %scan3A_20 step %scan3A_21  : i32 {
      %mul3A_29 = arith.constant 1 : i32
      %mul3A_30 = arith.muli %scan3A_28, %mul3A_29 : i32
      %add3A_31 = arith.constant 0 : i32
      %add3A_32 = arith.addi %add3A_31, %mul3A_30 : i32
      %mul3A_33 = arith.constant 16 : i32
      %mul3A_34 = arith.muli %add3A_32, %mul3A_33 : i32
      %mul3A_35 = arith.constant 16 : i32
      %mul3A_36 = arith.muli %add3A_32, %mul3A_35 : i32
      %jit3A = arith.constant 512 : i32
      %div3A = arith.divsi %mul3A_36, %jit3A : i32
      %sign3A = arith.constant 0 : i32
      %sign3A_37 = arith.cmpi sgt, %mul3A_36, %sign3A : i32
      %sign3A_38 = arith.extui %sign3A_37 : i1 to i32
      %sign3A_39 = arith.constant 0 : i32
      %sign3A_40 = arith.cmpi slt, %mul3A_36, %sign3A_39 : i32
      %sign3A_41 = arith.extui %sign3A_40 : i1 to i32
      %sign3A_42 = arith.subi %sign3A_38, %sign3A_41 : i32
      %sign3A_43 = arith.constant 0 : i32
      %sign3A_44 = arith.cmpi sgt, %jit3A, %sign3A_43 : i32
      %sign3A_45 = arith.extui %sign3A_44 : i1 to i32
      %sign3A_46 = arith.constant 0 : i32
      %sign3A_47 = arith.cmpi slt, %jit3A, %sign3A_46 : i32
      %sign3A_48 = arith.extui %sign3A_47 : i1 to i32
      %sign3A_49 = arith.subi %sign3A_45, %sign3A_48 : i32
      %ne3A = arith.cmpi ne, %sign3A_42, %sign3A_49 : i32
      %rem3A = arith.remsi %mul3A_36, %jit3A : i32
      %ne3A_50 = arith.constant 0 : i32
      %ne3A_51 = arith.cmpi ne, %rem3A, %ne3A_50 : i32
      %and3A = arith.andi %ne3A, %ne3A_51 : i1
      %sub3A = arith.constant 1 : i32
      %sub3A_52 = arith.subi %div3A, %sub3A : i32
      %select_n3A = arith.select %and3A, %sub3A_52, %div3A : i32
      %get3A = arith.index_cast %mul3A_34 : i32 to index
      %get3A_53 = tpu.vector_load %arg6[%get3A] {strides = array<i32>} : memref<13312xi32, #tpu.memory_space<vmem>>, vector<16xi32>,
      %get3A_54 = vector.shape_cast %get3A_53 : vector<16xi32> to vector<16xi32>
      %and3A_55 = arith.constant 32767 : i32
      %and3A_56 = vector.broadcast %and3A_55 : i32 to vector<16xi32>
      %and3A_57 = arith.andi %get3A_54, %and3A_56 : vector<16xi32>
      %shift_right_arithmetic3A = arith.constant 15 : i32
      %shift_right_arithmetic3A_58 = vector.broadcast %shift_right_arithmetic3A : i32 to vector<16xi32>
      %shift_right_arithmetic3A_59 = arith.shrsi %get3A_54, %shift_right_arithmetic3A_58 : vector<16xi32>
      %shift_left3A = arith.constant 13 : i32
      %shift_left3A_60 = vector.broadcast %shift_left3A : i32 to vector<16xi32>
      %shift_left3A_61 = arith.shli %shift_right_arithmetic3A_59, %shift_left3A_60 : vector<16xi32>
      %and3A_62 = arith.constant 8191 : i32
      %and3A_63 = vector.broadcast %and3A_62 : i32 to vector<16xi32>
      %and3A_64 = arith.andi %and3A_57, %and3A_63 : vector<16xi32>
      %add3A_65 = arith.addi %shift_left3A_61, %and3A_64 : vector<16xi32>
      %mul3A_66 = arith.constant 32768 : i32
      %mul3A_67 = arith.muli %select_n3A, %mul3A_66 : i32
      %add3A_68 = vector.broadcast %mul3A_67 : i32 to vector<16xi32>
      %add3A_69 = arith.addi %add3A_65, %add3A_68 : vector<16xi32>
      %swap3A = arith.index_cast %mul3A_34 : i32 to index
      %swap3A_70 = tpu.vector_load %arg6[%swap3A] {strides = array<i32>} : memref<13312xi32, #tpu.memory_space<vmem>>, vector<16xi32>,
      %swap3A_71 = vector.shape_cast %swap3A_70 : vector<16xi32> to vector<16xi32>
      %swap3A_72 = vector.shape_cast %add3A_69 : vector<16xi32> to vector<16xi32>
      tpu.vector_store %arg6[%swap3A], %swap3A_72 {strides = array<i32>} : memref<13312xi32, #tpu.memory_space<vmem>>, vector<16xi32>,
      %get3A_73 = arith.index_cast %mul3A_34 : i32 to index
      %get3A_74 = tpu.vector_load %arg7[%get3A_73] {strides = array<i32>} : memref<13328xi32, #tpu.memory_space<vmem>>, vector<16xi32>,
      %get3A_75 = vector.shape_cast %get3A_74 : vector<16xi32> to vector<16xi32>
      %and3A_76 = arith.constant 32767 : i32
      %and3A_77 = vector.broadcast %and3A_76 : i32 to vector<16xi32>
      %and3A_78 = arith.andi %get3A_75, %and3A_77 : vector<16xi32>
      %shift_right_arithmetic3A_79 = arith.constant 13 : i32
      %shift_right_arithmetic3A_80 = vector.broadcast %shift_right_arithmetic3A_79 : i32 to vector<16xi32>
      %shift_right_arithmetic3A_81 = arith.shrsi %and3A_78, %shift_right_arithmetic3A_80 : vector<16xi32>
      %shift_left3A_82 = arith.constant 5 : i32
      %shift_left3A_83 = vector.broadcast %shift_left3A_82 : i32 to vector<16xi32>
      %shift_left3A_84 = arith.shli %shift_right_arithmetic3A_81, %shift_left3A_83 : vector<16xi32>
      %swap3A_85 = arith.index_cast %mul3A_34 : i32 to index
      %swap3A_86 = tpu.vector_load %arg7[%swap3A_85] {strides = array<i32>} : memref<13328xi32, #tpu.memory_space<vmem>>, vector<16xi32>,
      %swap3A_87 = vector.shape_cast %swap3A_86 : vector<16xi32> to vector<16xi32>
      %swap3A_88 = vector.shape_cast %shift_left3A_84 : vector<16xi32> to vector<16xi32>
      tpu.vector_store %arg7[%swap3A_85], %swap3A_88 {strides = array<i32>} : memref<13328xi32, #tpu.memory_space<vmem>>, vector<16xi32>,
    }
    %scan3A_22 = arith.constant 832 : i32
    %scan3A_23 = arith.constant 0 : i32
    %scan3A_24 = arith.constant 32 : i32
    %scan3A_25 = arith.addi %scan3A_23, %scan3A_24 : i32
    %scan3A_26 = arith.constant 1 : i32
    scf.for %scan3A_28 = %scan3A_23 to %scan3A_25 step %scan3A_26  : i32 {
      %mul3A_29 = arith.constant 1 : i32
      %mul3A_30 = arith.muli %scan3A_28, %mul3A_29 : i32
      %add3A_31 = arith.constant 0 : i32
      %add3A_32 = arith.addi %add3A_31, %mul3A_30 : i32
      %mul3A_33 = arith.constant 16 : i32
      %mul3A_34 = arith.muli %add3A_32, %mul3A_33 : i32
      %multiple_of3A = tpu.assume_multiple %mul3A_34, 16 : i32
      %add3A_35 = arith.constant 0 : i32
      %add3A_36 = arith.addi %add3A_35, %multiple_of3A : i32
      %dma_start3A_37 = arith.constant 0 : i32
      %dma_start3A_38 = arith.constant 0 : i32
      %dma_start3A_39 = arith.constant 0 : i32
      %dma_start3A_40 = tpu.memref_slice %arg8[%dma_start3A_37, %dma_start3A_38, %dma_start3A_39] : memref<26x16x128xf32, #tpu.memory_space<vmem>> -> memref<1x16x128xf32, #tpu.memory_space<vmem>>
      %dma_start3A_41 = tpu.memref_squeeze %dma_start3A_40 : memref<1x16x128xf32, #tpu.memory_space<vmem>> -> memref<16x128xf32, #tpu.memory_space<vmem>>
      %dma_start3A_42 = tpu.memref_slice %arg6[%add3A_36] : memref<13312xi32, #tpu.memory_space<vmem>> -> memref<16xi32, #tpu.memory_space<vmem>>
      %dma_start3A_43 = arith.constant 0 : i32
      %dma_start3A_44 = arith.constant 0 : i32
      %dma_start3A_45 = tpu.memref_slice %arg2[%dma_start3A_43, %dma_start3A_44] : memref<851968x128xf32, #tpu.memory_space<hbm>> -> memref<851968x128xf32, #tpu.memory_space<hbm>>
      tpu.enqueue_indirect_dma source(%dma_start3A_45 : memref<851968x128xf32, #tpu.memory_space<hbm>>) target(%dma_start3A_41 : memref<16x128xf32, #tpu.memory_space<vmem>>) offsets(%dma_start3A_42 : memref<16xi32, #tpu.memory_space<vmem>>) semaphore(%arg10 : memref<!tpu.dma_semaphore, #tpu.memory_space<semaphore_mem>>)
      %add3A_46 = arith.constant 512 : i32
      %add3A_47 = arith.addi %add3A_46, %multiple_of3A : i32
      %dma_start3A_48 = arith.constant 1 : i32
      %dma_start3A_49 = arith.constant 0 : i32
      %dma_start3A_50 = arith.constant 0 : i32
      %dma_start3A_51 = tpu.memref_slice %arg8[%dma_start3A_48, %dma_start3A_49, %dma_start3A_50] : memref<26x16x128xf32, #tpu.memory_space<vmem>> -> memref<1x16x128xf32, #tpu.memory_space<vmem>>
      %dma_start3A_52 = tpu.memref_squeeze %dma_start3A_51 : memref<1x16x128xf32, #tpu.memory_space<vmem>> -> memref<16x128xf32, #tpu.memory_space<vmem>>
      %dma_start3A_53 = tpu.memref_slice %arg6[%add3A_47] : memref<13312xi32, #tpu.memory_space<vmem>> -> memref<16xi32, #tpu.memory_space<vmem>>
      %dma_start3A_54 = arith.constant 0 : i32
      %dma_start3A_55 = arith.constant 0 : i32
      %dma_start3A_56 = tpu.memref_slice %arg2[%dma_start3A_54, %dma_start3A_55] : memref<851968x128xf32, #tpu.memory_space<hbm>> -> memref<851968x128xf32, #tpu.memory_space<hbm>>
      tpu.enqueue_indirect_dma source(%dma_start3A_56 : memref<851968x128xf32, #tpu.memory_space<hbm>>) target(%dma_start3A_52 : memref<16x128xf32, #tpu.memory_space<vmem>>) offsets(%dma_start3A_53 : memref<16xi32, #tpu.memory_space<vmem>>) semaphore(%arg10 : memref<!tpu.dma_semaphore, #tpu.memory_space<semaphore_mem>>)
      %add3A_57 = arith.constant 1024 : i32
      %add3A_58 = arith.addi %add3A_57, %multiple_of3A : i32
      %dma_start3A_59 = arith.constant 2 : i32
      %dma_start3A_60 = arith.constant 0 : i32
      %dma_start3A_61 = arith.constant 0 : i32
      %dma_start3A_62 = tpu.memref_slice %arg8[%dma_start3A_59, %dma_start3A_60, %dma_start3A_61] : memref<26x16x128xf32, #tpu.memory_space<vmem>> -> memref<1x16x128xf32, #tpu.memory_space<vmem>>
      %dma_start3A_63 = tpu.memref_squeeze %dma_start3A_62 : memref<1x16x128xf32, #tpu.memory_space<vmem>> -> memref<16x128xf32, #tpu.memory_space<vmem>>
      %dma_start3A_64 = tpu.memref_slice %arg6[%add3A_58] : memref<13312xi32, #tpu.memory_space<vmem>> -> memref<16xi32, #tpu.memory_space<vmem>>
      %dma_start3A_65 = arith.constant 0 : i32
      %dma_start3A_66 = arith.constant 0 : i32
      %dma_start3A_67 = tpu.memref_slice %arg2[%dma_start3A_65, %dma_start3A_66] : memref<851968x128xf32, #tpu.memory_space<hbm>> -> memref<851968x128xf32, #tpu.memory_space<hbm>>
      tpu.enqueue_indirect_dma source(%dma_start3A_67 : memref<851968x128xf32, #tpu.memory_space<hbm>>) target(%dma_start3A_63 : memref<16x128xf32, #tpu.memory_space<vmem>>) offsets(%dma_start3A_64 : memref<16xi32, #tpu.memory_space<vmem>>) semaphore(%arg10 : memref<!tpu.dma_semaphore, #tpu.memory_space<semaphore_mem>>)
      %add3A_68 = arith.constant 1536 : i32
      %add3A_69 = arith.addi %add3A_68, %multiple_of3A : i32
      %dma_start3A_70 = arith.constant 3 : i32
      %dma_start3A_71 = arith.constant 0 : i32
      %dma_start3A_72 = arith.constant 0 : i32
      %dma_start3A_73 = tpu.memref_slice %arg8[%dma_start3A_70, %dma_start3A_71, %dma_start3A_72] : memref<26x16x128xf32, #tpu.memory_space<vmem>> -> memref<1x16x128xf32, #tpu.memory_space<vmem>>
      %dma_start3A_74 = tpu.memref_squeeze %dma_start3A_73 : memref<1x16x128xf32, #tpu.memory_space<vmem>> -> memref<16x128xf32, #tpu.memory_space<vmem>>
      %dma_start3A_75 = tpu.memref_slice %arg6[%add3A_69] : memref<13312xi32, #tpu.memory_space<vmem>> -> memref<16xi32, #tpu.memory_space<vmem>>
      %dma_start3A_76 = arith.constant 0 : i32
      %dma_start3A_77 = arith.constant 0 : i32
      %dma_start3A_78 = tpu.memref_slice %arg2[%dma_start3A_76, %dma_start3A_77] : memref<851968x128xf32, #tpu.memory_space<hbm>> -> memref<851968x128xf32, #tpu.memory_space<hbm>>
      tpu.enqueue_indirect_dma source(%dma_start3A_78 : memref<851968x128xf32, #tpu.memory_space<hbm>>) target(%dma_start3A_74 : memref<16x128xf32, #tpu.memory_space<vmem>>) offsets(%dma_start3A_75 : memref<16xi32, #tpu.memory_space<vmem>>) semaphore(%arg10 : memref<!tpu.dma_semaphore, #tpu.memory_space<semaphore_mem>>)
      %add3A_79 = arith.constant 2048 : i32
      %add3A_80 = arith.addi %add3A_79, %multiple_of3A : i32
      %dma_start3A_81 = arith.constant 4 : i32
      %dma_start3A_82 = arith.constant 0 : i32
      %dma_start3A_83 = arith.constant 0 : i32
      %dma_start3A_84 = tpu.memref_slice %arg8[%dma_start3A_81, %dma_start3A_82, %dma_start3A_83] : memref<26x16x128xf32, #tpu.memory_space<vmem>> -> memref<1x16x128xf32, #tpu.memory_space<vmem>>
      %dma_start3A_85 = tpu.memref_squeeze %dma_start3A_84 : memref<1x16x128xf32, #tpu.memory_space<vmem>> -> memref<16x128xf32, #tpu.memory_space<vmem>>
      %dma_start3A_86 = tpu.memref_slice %arg6[%add3A_80] : memref<13312xi32, #tpu.memory_space<vmem>> -> memref<16xi32, #tpu.memory_space<vmem>>
      %dma_start3A_87 = arith.constant 0 : i32
      %dma_start3A_88 = arith.constant 0 : i32
      %dma_start3A_89 = tpu.memref_slice %arg2[%dma_start3A_87, %dma_start3A_88] : memref<851968x128xf32, #tpu.memory_space<hbm>> -> memref<851968x128xf32, #tpu.memory_space<hbm>>
      tpu.enqueue_indirect_dma source(%dma_start3A_89 : memref<851968x128xf32, #tpu.memory_space<hbm>>) target(%dma_start3A_85 : memref<16x128xf32, #tpu.memory_space<vmem>>) offsets(%dma_start3A_86 : memref<16xi32, #tpu.memory_space<vmem>>) semaphore(%arg10 : memref<!tpu.dma_semaphore, #tpu.memory_space<semaphore_mem>>)
      %add3A_90 = arith.constant 2560 : i32
      %add3A_91 = arith.addi %add3A_90, %multiple_of3A : i32
      %dma_start3A_92 = arith.constant 5 : i32
      %dma_start3A_93 = arith.constant 0 : i32
      %dma_start3A_94 = arith.constant 0 : i32
      %dma_start3A_95 = tpu.memref_slice %arg8[%dma_start3A_92, %dma_start3A_93, %dma_start3A_94] : memref<26x16x128xf32, #tpu.memory_space<vmem>> -> memref<1x16x128xf32, #tpu.memory_space<vmem>>
      %dma_start3A_96 = tpu.memref_squeeze %dma_start3A_95 : memref<1x16x128xf32, #tpu.memory_space<vmem>> -> memref<16x128xf32, #tpu.memory_space<vmem>>
      %dma_start3A_97 = tpu.memref_slice %arg6[%add3A_91] : memref<13312xi32, #tpu.memory_space<vmem>> -> memref<16xi32, #tpu.memory_space<vmem>>
      %dma_start3A_98 = arith.constant 0 : i32
      %dma_start3A_99 = arith.constant 0 : i32
      %dma_start3A_100 = tpu.memref_slice %arg2[%dma_start3A_98, %dma_start3A_99] : memref<851968x128xf32, #tpu.memory_space<hbm>> -> memref<851968x128xf32, #tpu.memory_space<hbm>>
      tpu.enqueue_indirect_dma source(%dma_start3A_100 : memref<851968x128xf32, #tpu.memory_space<hbm>>) target(%dma_start3A_96 : memref<16x128xf32, #tpu.memory_space<vmem>>) offsets(%dma_start3A_97 : memref<16xi32, #tpu.memory_space<vmem>>) semaphore(%arg10 : memref<!tpu.dma_semaphore, #tpu.memory_space<semaphore_mem>>)
      %add3A_101 = arith.constant 3072 : i32
      %add3A_102 = arith.addi %add3A_101, %multiple_of3A : i32
      %dma_start3A_103 = arith.constant 6 : i32
      %dma_start3A_104 = arith.constant 0 : i32
      %dma_start3A_105 = arith.constant 0 : i32
      %dma_start3A_106 = tpu.memref_slice %arg8[%dma_start3A_103, %dma_start3A_104, %dma_start3A_105] : memref<26x16x128xf32, #tpu.memory_space<vmem>> -> memref<1x16x128xf32, #tpu.memory_space<vmem>>
      %dma_start3A_107 = tpu.memref_squeeze %dma_start3A_106 : memref<1x16x128xf32, #tpu.memory_space<vmem>> -> memref<16x128xf32, #tpu.memory_space<vmem>>
      %dma_start3A_108 = tpu.memref_slice %arg6[%add3A_102] : memref<13312xi32, #tpu.memory_space<vmem>> -> memref<16xi32, #tpu.memory_space<vmem>>
      %dma_start3A_109 = arith.constant 0 : i32
      %dma_start3A_110 = arith.constant 0 : i32
      %dma_start3A_111 = tpu.memref_slice %arg2[%dma_start3A_109, %dma_start3A_110] : memref<851968x128xf32, #tpu.memory_space<hbm>> -> memref<851968x128xf32, #tpu.memory_space<hbm>>
      tpu.enqueue_indirect_dma source(%dma_start3A_111 : memref<851968x128xf32, #tpu.memory_space<hbm>>) target(%dma_start3A_107 : memref<16x128xf32, #tpu.memory_space<vmem>>) offsets(%dma_start3A_108 : memref<16xi32, #tpu.memory_space<vmem>>) semaphore(%arg10 : memref<!tpu.dma_semaphore, #tpu.memory_space<semaphore_mem>>)
      %add3A_112 = arith.constant 3584 : i32
      %add3A_113 = arith.addi %add3A_112, %multiple_of3A : i32
      %dma_start3A_114 = arith.constant 7 : i32
      %dma_start3A_115 = arith.constant 0 : i32
      %dma_start3A_116 = arith.constant 0 : i32
      %dma_start3A_117 = tpu.memref_slice %arg8[%dma_start3A_114, %dma_start3A_115, %dma_start3A_116] : memref<26x16x128xf32, #tpu.memory_space<vmem>> -> memref<1x16x128xf32, #tpu.memory_space<vmem>>
      %dma_start3A_118 = tpu.memref_squeeze %dma_start3A_117 : memref<1x16x128xf32, #tpu.memory_space<vmem>> -> memref<16x128xf32, #tpu.memory_space<vmem>>
      %dma_start3A_119 = tpu.memref_slice %arg6[%add3A_113] : memref<13312xi32, #tpu.memory_space<vmem>> -> memref<16xi32, #tpu.memory_space<vmem>>
      %dma_start3A_120 = arith.constant 0 : i32
      %dma_start3A_121 = arith.constant 0 : i32
      %dma_start3A_122 = tpu.memref_slice %arg2[%dma_start3A_120, %dma_start3A_121] : memref<851968x128xf32, #tpu.memory_space<hbm>> -> memref<851968x128xf32, #tpu.memory_space<hbm>>
      tpu.enqueue_indirect_dma source(%dma_start3A_122 : memref<851968x128xf32, #tpu.memory_space<hbm>>) target(%dma_start3A_118 : memref<16x128xf32, #tpu.memory_space<vmem>>) offsets(%dma_start3A_119 : memref<16xi32, #tpu.memory_space<vmem>>) semaphore(%arg10 : memref<!tpu.dma_semaphore, #tpu.memory_space<semaphore_mem>>)
      %add3A_123 = arith.constant 4096 : i32
      %add3A_124 = arith.addi %add3A_123, %multiple_of3A : i32
      %dma_start3A_125 = arith.constant 8 : i32
      %dma_start3A_126 = arith.constant 0 : i32
      %dma_start3A_127 = arith.constant 0 : i32
      %dma_start3A_128 = tpu.memref_slice %arg8[%dma_start3A_125, %dma_start3A_126, %dma_start3A_127] : memref<26x16x128xf32, #tpu.memory_space<vmem>> -> memref<1x16x128xf32, #tpu.memory_space<vmem>>
      %dma_start3A_129 = tpu.memref_squeeze %dma_start3A_128 : memref<1x16x128xf32, #tpu.memory_space<vmem>> -> memref<16x128xf32, #tpu.memory_space<vmem>>
      %dma_start3A_130 = tpu.memref_slice %arg6[%add3A_124] : memref<13312xi32, #tpu.memory_space<vmem>> -> memref<16xi32, #tpu.memory_space<vmem>>
      %dma_start3A_131 = arith.constant 0 : i32
      %dma_start3A_132 = arith.constant 0 : i32
      %dma_start3A_133 = tpu.memref_slice %arg2[%dma_start3A_131, %dma_start3A_132] : memref<851968x128xf32, #tpu.memory_space<hbm>> -> memref<851968x128xf32, #tpu.memory_space<hbm>>
      tpu.enqueue_indirect_dma source(%dma_start3A_133 : memref<851968x128xf32, #tpu.memory_space<hbm>>) target(%dma_start3A_129 : memref<16x128xf32, #tpu.memory_space<vmem>>) offsets(%dma_start3A_130 : memref<16xi32, #tpu.memory_space<vmem>>) semaphore(%arg10 : memref<!tpu.dma_semaphore, #tpu.memory_space<semaphore_mem>>)
      %add3A_134 = arith.constant 4608 : i32
      %add3A_135 = arith.addi %add3A_134, %multiple_of3A : i32
      %dma_start3A_136 = arith.constant 9 : i32
      %dma_start3A_137 = arith.constant 0 : i32
      %dma_start3A_138 = arith.constant 0 : i32
      %dma_start3A_139 = tpu.memref_slice %arg8[%dma_start3A_136, %dma_start3A_137, %dma_start3A_138] : memref<26x16x128xf32, #tpu.memory_space<vmem>> -> memref<1x16x128xf32, #tpu.memory_space<vmem>>
      %dma_start3A_140 = tpu.memref_squeeze %dma_start3A_139 : memref<1x16x128xf32, #tpu.memory_space<vmem>> -> memref<16x128xf32, #tpu.memory_space<vmem>>
      %dma_start3A_141 = tpu.memref_slice %arg6[%add3A_135] : memref<13312xi32, #tpu.memory_space<vmem>> -> memref<16xi32, #tpu.memory_space<vmem>>
      %dma_start3A_142 = arith.constant 0 : i32
      %dma_start3A_143 = arith.constant 0 : i32
      %dma_start3A_144 = tpu.memref_slice %arg2[%dma_start3A_142, %dma_start3A_143] : memref<851968x128xf32, #tpu.memory_space<hbm>> -> memref<851968x128xf32, #tpu.memory_space<hbm>>
      tpu.enqueue_indirect_dma source(%dma_start3A_144 : memref<851968x128xf32, #tpu.memory_space<hbm>>) target(%dma_start3A_140 : memref<16x128xf32, #tpu.memory_space<vmem>>) offsets(%dma_start3A_141 : memref<16xi32, #tpu.memory_space<vmem>>) semaphore(%arg10 : memref<!tpu.dma_semaphore, #tpu.memory_space<semaphore_mem>>)
      %add3A_145 = arith.constant 5120 : i32
      %add3A_146 = arith.addi %add3A_145, %multiple_of3A : i32
      %dma_start3A_147 = arith.constant 10 : i32
      %dma_start3A_148 = arith.constant 0 : i32
      %dma_start3A_149 = arith.constant 0 : i32
      %dma_start3A_150 = tpu.memref_slice %arg8[%dma_start3A_147, %dma_start3A_148, %dma_start3A_149] : memref<26x16x128xf32, #tpu.memory_space<vmem>> -> memref<1x16x128xf32, #tpu.memory_space<vmem>>
      %dma_start3A_151 = tpu.memref_squeeze %dma_start3A_150 : memref<1x16x128xf32, #tpu.memory_space<vmem>> -> memref<16x128xf32, #tpu.memory_space<vmem>>
      %dma_start3A_152 = tpu.memref_slice %arg6[%add3A_146] : memref<13312xi32, #tpu.memory_space<vmem>> -> memref<16xi32, #tpu.memory_space<vmem>>
      %dma_start3A_153 = arith.constant 0 : i32
      %dma_start3A_154 = arith.constant 0 : i32
      %dma_start3A_155 = tpu.memref_slice %arg2[%dma_start3A_153, %dma_start3A_154] : memref<851968x128xf32, #tpu.memory_space<hbm>> -> memref<851968x128xf32, #tpu.memory_space<hbm>>
      tpu.enqueue_indirect_dma source(%dma_start3A_155 : memref<851968x128xf32, #tpu.memory_space<hbm>>) target(%dma_start3A_151 : memref<16x128xf32, #tpu.memory_space<vmem>>) offsets(%dma_start3A_152 : memref<16xi32, #tpu.memory_space<vmem>>) semaphore(%arg10 : memref<!tpu.dma_semaphore, #tpu.memory_space<semaphore_mem>>)
      %add3A_156 = arith.constant 5632 : i32
      %add3A_157 = arith.addi %add3A_156, %multiple_of3A : i32
      %dma_start3A_158 = arith.constant 11 : i32
      %dma_start3A_159 = arith.constant 0 : i32
      %dma_start3A_160 = arith.constant 0 : i32
      %dma_start3A_161 = tpu.memref_slice %arg8[%dma_start3A_158, %dma_start3A_159, %dma_start3A_160] : memref<26x16x128xf32, #tpu.memory_space<vmem>> -> memref<1x16x128xf32, #tpu.memory_space<vmem>>
      %dma_start3A_162 = tpu.memref_squeeze %dma_start3A_161 : memref<1x16x128xf32, #tpu.memory_space<vmem>> -> memref<16x128xf32, #tpu.memory_space<vmem>>
      %dma_start3A_163 = tpu.memref_slice %arg6[%add3A_157] : memref<13312xi32, #tpu.memory_space<vmem>> -> memref<16xi32, #tpu.memory_space<vmem>>
      %dma_start3A_164 = arith.constant 0 : i32
      %dma_start3A_165 = arith.constant 0 : i32
      %dma_start3A_166 = tpu.memref_slice %arg2[%dma_start3A_164, %dma_start3A_165] : memref<851968x128xf32, #tpu.memory_space<hbm>> -> memref<851968x128xf32, #tpu.memory_space<hbm>>
      tpu.enqueue_indirect_dma source(%dma_start3A_166 : memref<851968x128xf32, #tpu.memory_space<hbm>>) target(%dma_start3A_162 : memref<16x128xf32, #tpu.memory_space<vmem>>) offsets(%dma_start3A_163 : memref<16xi32, #tpu.memory_space<vmem>>) semaphore(%arg10 : memref<!tpu.dma_semaphore, #tpu.memory_space<semaphore_mem>>)
      %add3A_167 = arith.constant 6144 : i32
      %add3A_168 = arith.addi %add3A_167, %multiple_of3A : i32
      %dma_start3A_169 = arith.constant 12 : i32
      %dma_start3A_170 = arith.constant 0 : i32
      %dma_start3A_171 = arith.constant 0 : i32
      %dma_start3A_172 = tpu.memref_slice %arg8[%dma_start3A_169, %dma_start3A_170, %dma_start3A_171] : memref<26x16x128xf32, #tpu.memory_space<vmem>> -> memref<1x16x128xf32, #tpu.memory_space<vmem>>
      %dma_start3A_173 = tpu.memref_squeeze %dma_start3A_172 : memref<1x16x128xf32, #tpu.memory_space<vmem>> -> memref<16x128xf32, #tpu.memory_space<vmem>>
      %dma_start3A_174 = tpu.memref_slice %arg6[%add3A_168] : memref<13312xi32, #tpu.memory_space<vmem>> -> memref<16xi32, #tpu.memory_space<vmem>>
      %dma_start3A_175 = arith.constant 0 : i32
      %dma_start3A_176 = arith.constant 0 : i32
      %dma_start3A_177 = tpu.memref_slice %arg2[%dma_start3A_175, %dma_start3A_176] : memref<851968x128xf32, #tpu.memory_space<hbm>> -> memref<851968x128xf32, #tpu.memory_space<hbm>>
      tpu.enqueue_indirect_dma source(%dma_start3A_177 : memref<851968x128xf32, #tpu.memory_space<hbm>>) target(%dma_start3A_173 : memref<16x128xf32, #tpu.memory_space<vmem>>) offsets(%dma_start3A_174 : memref<16xi32, #tpu.memory_space<vmem>>) semaphore(%arg10 : memref<!tpu.dma_semaphore, #tpu.memory_space<semaphore_mem>>)
      %add3A_178 = arith.constant 6656 : i32
      %add3A_179 = arith.addi %add3A_178, %multiple_of3A : i32
      %dma_start3A_180 = arith.constant 13 : i32
      %dma_start3A_181 = arith.constant 0 : i32
      %dma_start3A_182 = arith.constant 0 : i32
      %dma_start3A_183 = tpu.memref_slice %arg8[%dma_start3A_180, %dma_start3A_181, %dma_start3A_182] : memref<26x16x128xf32, #tpu.memory_space<vmem>> -> memref<1x16x128xf32, #tpu.memory_space<vmem>>
      %dma_start3A_184 = tpu.memref_squeeze %dma_start3A_183 : memref<1x16x128xf32, #tpu.memory_space<vmem>> -> memref<16x128xf32, #tpu.memory_space<vmem>>
      %dma_start3A_185 = tpu.memref_slice %arg6[%add3A_179] : memref<13312xi32, #tpu.memory_space<vmem>> -> memref<16xi32, #tpu.memory_space<vmem>>
      %dma_start3A_186 = arith.constant 0 : i32
      %dma_start3A_187 = arith.constant 0 : i32
      %dma_start3A_188 = tpu.memref_slice %arg2[%dma_start3A_186, %dma_start3A_187] : memref<851968x128xf32, #tpu.memory_space<hbm>> -> memref<851968x128xf32, #tpu.memory_space<hbm>>
      tpu.enqueue_indirect_dma source(%dma_start3A_188 : memref<851968x128xf32, #tpu.memory_space<hbm>>) target(%dma_start3A_184 : memref<16x128xf32, #tpu.memory_space<vmem>>) offsets(%dma_start3A_185 : memref<16xi32, #tpu.memory_space<vmem>>) semaphore(%arg10 : memref<!tpu.dma_semaphore, #tpu.memory_space<semaphore_mem>>)
      %add3A_189 = arith.constant 7168 : i32
      %add3A_190 = arith.addi %add3A_189, %multiple_of3A : i32
      %dma_start3A_191 = arith.constant 14 : i32
      %dma_start3A_192 = arith.constant 0 : i32
      %dma_start3A_193 = arith.constant 0 : i32
      %dma_start3A_194 = tpu.memref_slice %arg8[%dma_start3A_191, %dma_start3A_192, %dma_start3A_193] : memref<26x16x128xf32, #tpu.memory_space<vmem>> -> memref<1x16x128xf32, #tpu.memory_space<vmem>>
      %dma_start3A_195 = tpu.memref_squeeze %dma_start3A_194 : memref<1x16x128xf32, #tpu.memory_space<vmem>> -> memref<16x128xf32, #tpu.memory_space<vmem>>
      %dma_start3A_196 = tpu.memref_slice %arg6[%add3A_190] : memref<13312xi32, #tpu.memory_space<vmem>> -> memref<16xi32, #tpu.memory_space<vmem>>
      %dma_start3A_197 = arith.constant 0 : i32
      %dma_start3A_198 = arith.constant 0 : i32
      %dma_start3A_199 = tpu.memref_slice %arg2[%dma_start3A_197, %dma_start3A_198] : memref<851968x128xf32, #tpu.memory_space<hbm>> -> memref<851968x128xf32, #tpu.memory_space<hbm>>
      tpu.enqueue_indirect_dma source(%dma_start3A_199 : memref<851968x128xf32, #tpu.memory_space<hbm>>) target(%dma_start3A_195 : memref<16x128xf32, #tpu.memory_space<vmem>>) offsets(%dma_start3A_196 : memref<16xi32, #tpu.memory_space<vmem>>) semaphore(%arg10 : memref<!tpu.dma_semaphore, #tpu.memory_space<semaphore_mem>>)
      %add3A_200 = arith.constant 7680 : i32
      %add3A_201 = arith.addi %add3A_200, %multiple_of3A : i32
      %dma_start3A_202 = arith.constant 15 : i32
      %dma_start3A_203 = arith.constant 0 : i32
      %dma_start3A_204 = arith.constant 0 : i32
      %dma_start3A_205 = tpu.memref_slice %arg8[%dma_start3A_202, %dma_start3A_203, %dma_start3A_204] : memref<26x16x128xf32, #tpu.memory_space<vmem>> -> memref<1x16x128xf32, #tpu.memory_space<vmem>>
      %dma_start3A_206 = tpu.memref_squeeze %dma_start3A_205 : memref<1x16x128xf32, #tpu.memory_space<vmem>> -> memref<16x128xf32, #tpu.memory_space<vmem>>
      %dma_start3A_207 = tpu.memref_slice %arg6[%add3A_201] : memref<13312xi32, #tpu.memory_space<vmem>> -> memref<16xi32, #tpu.memory_space<vmem>>
      %dma_start3A_208 = arith.constant 0 : i32
      %dma_start3A_209 = arith.constant 0 : i32
      %dma_start3A_210 = tpu.memref_slice %arg2[%dma_start3A_208, %dma_start3A_209] : memref<851968x128xf32, #tpu.memory_space<hbm>> -> memref<851968x128xf32, #tpu.memory_space<hbm>>
      tpu.enqueue_indirect_dma source(%dma_start3A_210 : memref<851968x128xf32, #tpu.memory_space<hbm>>) target(%dma_start3A_206 : memref<16x128xf32, #tpu.memory_space<vmem>>) offsets(%dma_start3A_207 : memref<16xi32, #tpu.memory_space<vmem>>) semaphore(%arg10 : memref<!tpu.dma_semaphore, #tpu.memory_space<semaphore_mem>>)
      %add3A_211 = arith.constant 8192 : i32
      %add3A_212 = arith.addi %add3A_211, %multiple_of3A : i32
      %dma_start3A_213 = arith.constant 16 : i32
      %dma_start3A_214 = arith.constant 0 : i32
      %dma_start3A_215 = arith.constant 0 : i32
      %dma_start3A_216 = tpu.memref_slice %arg8[%dma_start3A_213, %dma_start3A_214, %dma_start3A_215] : memref<26x16x128xf32, #tpu.memory_space<vmem>> -> memref<1x16x128xf32, #tpu.memory_space<vmem>>
      %dma_start3A_217 = tpu.memref_squeeze %dma_start3A_216 : memref<1x16x128xf32, #tpu.memory_space<vmem>> -> memref<16x128xf32, #tpu.memory_space<vmem>>
      %dma_start3A_218 = tpu.memref_slice %arg6[%add3A_212] : memref<13312xi32, #tpu.memory_space<vmem>> -> memref<16xi32, #tpu.memory_space<vmem>>
      %dma_start3A_219 = arith.constant 0 : i32
      %dma_start3A_220 = arith.constant 0 : i32
      %dma_start3A_221 = tpu.memref_slice %arg2[%dma_start3A_219, %dma_start3A_220] : memref<851968x128xf32, #tpu.memory_space<hbm>> -> memref<851968x128xf32, #tpu.memory_space<hbm>>
      tpu.enqueue_indirect_dma source(%dma_start3A_221 : memref<851968x128xf32, #tpu.memory_space<hbm>>) target(%dma_start3A_217 : memref<16x128xf32, #tpu.memory_space<vmem>>) offsets(%dma_start3A_218 : memref<16xi32, #tpu.memory_space<vmem>>) semaphore(%arg10 : memref<!tpu.dma_semaphore, #tpu.memory_space<semaphore_mem>>)
      %add3A_222 = arith.constant 8704 : i32
      %add3A_223 = arith.addi %add3A_222, %multiple_of3A : i32
      %dma_start3A_224 = arith.constant 17 : i32
      %dma_start3A_225 = arith.constant 0 : i32
      %dma_start3A_226 = arith.constant 0 : i32
      %dma_start3A_227 = tpu.memref_slice %arg8[%dma_start3A_224, %dma_start3A_225, %dma_start3A_226] : memref<26x16x128xf32, #tpu.memory_space<vmem>> -> memref<1x16x128xf32, #tpu.memory_space<vmem>>
      %dma_start3A_228 = tpu.memref_squeeze %dma_start3A_227 : memref<1x16x128xf32, #tpu.memory_space<vmem>> -> memref<16x128xf32, #tpu.memory_space<vmem>>
      %dma_start3A_229 = tpu.memref_slice %arg6[%add3A_223] : memref<13312xi32, #tpu.memory_space<vmem>> -> memref<16xi32, #tpu.memory_space<vmem>>
      %dma_start3A_230 = arith.constant 0 : i32
      %dma_start3A_231 = arith.constant 0 : i32
      %dma_start3A_232 = tpu.memref_slice %arg2[%dma_start3A_230, %dma_start3A_231] : memref<851968x128xf32, #tpu.memory_space<hbm>> -> memref<851968x128xf32, #tpu.memory_space<hbm>>
      tpu.enqueue_indirect_dma source(%dma_start3A_232 : memref<851968x128xf32, #tpu.memory_space<hbm>>) target(%dma_start3A_228 : memref<16x128xf32, #tpu.memory_space<vmem>>) offsets(%dma_start3A_229 : memref<16xi32, #tpu.memory_space<vmem>>) semaphore(%arg10 : memref<!tpu.dma_semaphore, #tpu.memory_space<semaphore_mem>>)
      %add3A_233 = arith.constant 9216 : i32
      %add3A_234 = arith.addi %add3A_233, %multiple_of3A : i32
      %dma_start3A_235 = arith.constant 18 : i32
      %dma_start3A_236 = arith.constant 0 : i32
      %dma_start3A_237 = arith.constant 0 : i32
      %dma_start3A_238 = tpu.memref_slice %arg8[%dma_start3A_235, %dma_start3A_236, %dma_start3A_237] : memref<26x16x128xf32, #tpu.memory_space<vmem>> -> memref<1x16x128xf32, #tpu.memory_space<vmem>>
      %dma_start3A_239 = tpu.memref_squeeze %dma_start3A_238 : memref<1x16x128xf32, #tpu.memory_space<vmem>> -> memref<16x128xf32, #tpu.memory_space<vmem>>
      %dma_start3A_240 = tpu.memref_slice %arg6[%add3A_234] : memref<13312xi32, #tpu.memory_space<vmem>> -> memref<16xi32, #tpu.memory_space<vmem>>
      %dma_start3A_241 = arith.constant 0 : i32
      %dma_start3A_242 = arith.constant 0 : i32
      %dma_start3A_243 = tpu.memref_slice %arg2[%dma_start3A_241, %dma_start3A_242] : memref<851968x128xf32, #tpu.memory_space<hbm>> -> memref<851968x128xf32, #tpu.memory_space<hbm>>
      tpu.enqueue_indirect_dma source(%dma_start3A_243 : memref<851968x128xf32, #tpu.memory_space<hbm>>) target(%dma_start3A_239 : memref<16x128xf32, #tpu.memory_space<vmem>>) offsets(%dma_start3A_240 : memref<16xi32, #tpu.memory_space<vmem>>) semaphore(%arg10 : memref<!tpu.dma_semaphore, #tpu.memory_space<semaphore_mem>>)
      %add3A_244 = arith.constant 9728 : i32
      %add3A_245 = arith.addi %add3A_244, %multiple_of3A : i32
      %dma_start3A_246 = arith.constant 19 : i32
      %dma_start3A_247 = arith.constant 0 : i32
      %dma_start3A_248 = arith.constant 0 : i32
      %dma_start3A_249 = tpu.memref_slice %arg8[%dma_start3A_246, %dma_start3A_247, %dma_start3A_248] : memref<26x16x128xf32, #tpu.memory_space<vmem>> -> memref<1x16x128xf32, #tpu.memory_space<vmem>>
      %dma_start3A_250 = tpu.memref_squeeze %dma_start3A_249 : memref<1x16x128xf32, #tpu.memory_space<vmem>> -> memref<16x128xf32, #tpu.memory_space<vmem>>
      %dma_start3A_251 = tpu.memref_slice %arg6[%add3A_245] : memref<13312xi32, #tpu.memory_space<vmem>> -> memref<16xi32, #tpu.memory_space<vmem>>
      %dma_start3A_252 = arith.constant 0 : i32
      %dma_start3A_253 = arith.constant 0 : i32
      %dma_start3A_254 = tpu.memref_slice %arg2[%dma_start3A_252, %dma_start3A_253] : memref<851968x128xf32, #tpu.memory_space<hbm>> -> memref<851968x128xf32, #tpu.memory_space<hbm>>
      tpu.enqueue_indirect_dma source(%dma_start3A_254 : memref<851968x128xf32, #tpu.memory_space<hbm>>) target(%dma_start3A_250 : memref<16x128xf32, #tpu.memory_space<vmem>>) offsets(%dma_start3A_251 : memref<16xi32, #tpu.memory_space<vmem>>) semaphore(%arg10 : memref<!tpu.dma_semaphore, #tpu.memory_space<semaphore_mem>>)
      %add3A_255 = arith.constant 10240 : i32
      %add3A_256 = arith.addi %add3A_255, %multiple_of3A : i32
      %dma_start3A_257 = arith.constant 20 : i32
      %dma_start3A_258 = arith.constant 0 : i32
      %dma_start3A_259 = arith.constant 0 : i32
      %dma_start3A_260 = tpu.memref_slice %arg8[%dma_start3A_257, %dma_start3A_258, %dma_start3A_259] : memref<26x16x128xf32, #tpu.memory_space<vmem>> -> memref<1x16x128xf32, #tpu.memory_space<vmem>>
      %dma_start3A_261 = tpu.memref_squeeze %dma_start3A_260 : memref<1x16x128xf32, #tpu.memory_space<vmem>> -> memref<16x128xf32, #tpu.memory_space<vmem>>
      %dma_start3A_262 = tpu.memref_slice %arg6[%add3A_256] : memref<13312xi32, #tpu.memory_space<vmem>> -> memref<16xi32, #tpu.memory_space<vmem>>
      %dma_start3A_263 = arith.constant 0 : i32
      %dma_start3A_264 = arith.constant 0 : i32
      %dma_start3A_265 = tpu.memref_slice %arg2[%dma_start3A_263, %dma_start3A_264] : memref<851968x128xf32, #tpu.memory_space<hbm>> -> memref<851968x128xf32, #tpu.memory_space<hbm>>
      tpu.enqueue_indirect_dma source(%dma_start3A_265 : memref<851968x128xf32, #tpu.memory_space<hbm>>) target(%dma_start3A_261 : memref<16x128xf32, #tpu.memory_space<vmem>>) offsets(%dma_start3A_262 : memref<16xi32, #tpu.memory_space<vmem>>) semaphore(%arg10 : memref<!tpu.dma_semaphore, #tpu.memory_space<semaphore_mem>>)
      %add3A_266 = arith.constant 10752 : i32
      %add3A_267 = arith.addi %add3A_266, %multiple_of3A : i32
      %dma_start3A_268 = arith.constant 21 : i32
      %dma_start3A_269 = arith.constant 0 : i32
      %dma_start3A_270 = arith.constant 0 : i32
      %dma_start3A_271 = tpu.memref_slice %arg8[%dma_start3A_268, %dma_start3A_269, %dma_start3A_270] : memref<26x16x128xf32, #tpu.memory_space<vmem>> -> memref<1x16x128xf32, #tpu.memory_space<vmem>>
      %dma_start3A_272 = tpu.memref_squeeze %dma_start3A_271 : memref<1x16x128xf32, #tpu.memory_space<vmem>> -> memref<16x128xf32, #tpu.memory_space<vmem>>
      %dma_start3A_273 = tpu.memref_slice %arg6[%add3A_267] : memref<13312xi32, #tpu.memory_space<vmem>> -> memref<16xi32, #tpu.memory_space<vmem>>
      %dma_start3A_274 = arith.constant 0 : i32
      %dma_start3A_275 = arith.constant 0 : i32
      %dma_start3A_276 = tpu.memref_slice %arg2[%dma_start3A_274, %dma_start3A_275] : memref<851968x128xf32, #tpu.memory_space<hbm>> -> memref<851968x128xf32, #tpu.memory_space<hbm>>
      tpu.enqueue_indirect_dma source(%dma_start3A_276 : memref<851968x128xf32, #tpu.memory_space<hbm>>) target(%dma_start3A_272 : memref<16x128xf32, #tpu.memory_space<vmem>>) offsets(%dma_start3A_273 : memref<16xi32, #tpu.memory_space<vmem>>) semaphore(%arg10 : memref<!tpu.dma_semaphore, #tpu.memory_space<semaphore_mem>>)
      %add3A_277 = arith.constant 11264 : i32
      %add3A_278 = arith.addi %add3A_277, %multiple_of3A : i32
      %dma_start3A_279 = arith.constant 22 : i32
      %dma_start3A_280 = arith.constant 0 : i32
      %dma_start3A_281 = arith.constant 0 : i32
      %dma_start3A_282 = tpu.memref_slice %arg8[%dma_start3A_279, %dma_start3A_280, %dma_start3A_281] : memref<26x16x128xf32, #tpu.memory_space<vmem>> -> memref<1x16x128xf32, #tpu.memory_space<vmem>>
      %dma_start3A_283 = tpu.memref_squeeze %dma_start3A_282 : memref<1x16x128xf32, #tpu.memory_space<vmem>> -> memref<16x128xf32, #tpu.memory_space<vmem>>
      %dma_start3A_284 = tpu.memref_slice %arg6[%add3A_278] : memref<13312xi32, #tpu.memory_space<vmem>> -> memref<16xi32, #tpu.memory_space<vmem>>
      %dma_start3A_285 = arith.constant 0 : i32
      %dma_start3A_286 = arith.constant 0 : i32
      %dma_start3A_287 = tpu.memref_slice %arg2[%dma_start3A_285, %dma_start3A_286] : memref<851968x128xf32, #tpu.memory_space<hbm>> -> memref<851968x128xf32, #tpu.memory_space<hbm>>
      tpu.enqueue_indirect_dma source(%dma_start3A_287 : memref<851968x128xf32, #tpu.memory_space<hbm>>) target(%dma_start3A_283 : memref<16x128xf32, #tpu.memory_space<vmem>>) offsets(%dma_start3A_284 : memref<16xi32, #tpu.memory_space<vmem>>) semaphore(%arg10 : memref<!tpu.dma_semaphore, #tpu.memory_space<semaphore_mem>>)
      %add3A_288 = arith.constant 11776 : i32
      %add3A_289 = arith.addi %add3A_288, %multiple_of3A : i32
      %dma_start3A_290 = arith.constant 23 : i32
      %dma_start3A_291 = arith.constant 0 : i32
      %dma_start3A_292 = arith.constant 0 : i32
      %dma_start3A_293 = tpu.memref_slice %arg8[%dma_start3A_290, %dma_start3A_291, %dma_start3A_292] : memref<26x16x128xf32, #tpu.memory_space<vmem>> -> memref<1x16x128xf32, #tpu.memory_space<vmem>>
      %dma_start3A_294 = tpu.memref_squeeze %dma_start3A_293 : memref<1x16x128xf32, #tpu.memory_space<vmem>> -> memref<16x128xf32, #tpu.memory_space<vmem>>
      %dma_start3A_295 = tpu.memref_slice %arg6[%add3A_289] : memref<13312xi32, #tpu.memory_space<vmem>> -> memref<16xi32, #tpu.memory_space<vmem>>
      %dma_start3A_296 = arith.constant 0 : i32
      %dma_start3A_297 = arith.constant 0 : i32
      %dma_start3A_298 = tpu.memref_slice %arg2[%dma_start3A_296, %dma_start3A_297] : memref<851968x128xf32, #tpu.memory_space<hbm>> -> memref<851968x128xf32, #tpu.memory_space<hbm>>
      tpu.enqueue_indirect_dma source(%dma_start3A_298 : memref<851968x128xf32, #tpu.memory_space<hbm>>) target(%dma_start3A_294 : memref<16x128xf32, #tpu.memory_space<vmem>>) offsets(%dma_start3A_295 : memref<16xi32, #tpu.memory_space<vmem>>) semaphore(%arg10 : memref<!tpu.dma_semaphore, #tpu.memory_space<semaphore_mem>>)
      %add3A_299 = arith.constant 12288 : i32
      %add3A_300 = arith.addi %add3A_299, %multiple_of3A : i32
      %dma_start3A_301 = arith.constant 24 : i32
      %dma_start3A_302 = arith.constant 0 : i32
      %dma_start3A_303 = arith.constant 0 : i32
      %dma_start3A_304 = tpu.memref_slice %arg8[%dma_start3A_301, %dma_start3A_302, %dma_start3A_303] : memref<26x16x128xf32, #tpu.memory_space<vmem>> -> memref<1x16x128xf32, #tpu.memory_space<vmem>>
      %dma_start3A_305 = tpu.memref_squeeze %dma_start3A_304 : memref<1x16x128xf32, #tpu.memory_space<vmem>> -> memref<16x128xf32, #tpu.memory_space<vmem>>
      %dma_start3A_306 = tpu.memref_slice %arg6[%add3A_300] : memref<13312xi32, #tpu.memory_space<vmem>> -> memref<16xi32, #tpu.memory_space<vmem>>
      %dma_start3A_307 = arith.constant 0 : i32
      %dma_start3A_308 = arith.constant 0 : i32
      %dma_start3A_309 = tpu.memref_slice %arg2[%dma_start3A_307, %dma_start3A_308] : memref<851968x128xf32, #tpu.memory_space<hbm>> -> memref<851968x128xf32, #tpu.memory_space<hbm>>
      tpu.enqueue_indirect_dma source(%dma_start3A_309 : memref<851968x128xf32, #tpu.memory_space<hbm>>) target(%dma_start3A_305 : memref<16x128xf32, #tpu.memory_space<vmem>>) offsets(%dma_start3A_306 : memref<16xi32, #tpu.memory_space<vmem>>) semaphore(%arg10 : memref<!tpu.dma_semaphore, #tpu.memory_space<semaphore_mem>>)
      %add3A_310 = arith.constant 12800 : i32
      %add3A_311 = arith.addi %add3A_310, %multiple_of3A : i32
      %dma_start3A_312 = arith.constant 25 : i32
      %dma_start3A_313 = arith.constant 0 : i32
      %dma_start3A_314 = arith.constant 0 : i32
      %dma_start3A_315 = tpu.memref_slice %arg8[%dma_start3A_312, %dma_start3A_313, %dma_start3A_314] : memref<26x16x128xf32, #tpu.memory_space<vmem>> -> memref<1x16x128xf32, #tpu.memory_space<vmem>>
      %dma_start3A_316 = tpu.memref_squeeze %dma_start3A_315 : memref<1x16x128xf32, #tpu.memory_space<vmem>> -> memref<16x128xf32, #tpu.memory_space<vmem>>
      %dma_start3A_317 = tpu.memref_slice %arg6[%add3A_311] : memref<13312xi32, #tpu.memory_space<vmem>> -> memref<16xi32, #tpu.memory_space<vmem>>
      %dma_start3A_318 = arith.constant 0 : i32
      %dma_start3A_319 = arith.constant 0 : i32
      %dma_start3A_320 = tpu.memref_slice %arg2[%dma_start3A_318, %dma_start3A_319] : memref<851968x128xf32, #tpu.memory_space<hbm>> -> memref<851968x128xf32, #tpu.memory_space<hbm>>
      tpu.enqueue_indirect_dma source(%dma_start3A_320 : memref<851968x128xf32, #tpu.memory_space<hbm>>) target(%dma_start3A_316 : memref<16x128xf32, #tpu.memory_space<vmem>>) offsets(%dma_start3A_317 : memref<16xi32, #tpu.memory_space<vmem>>) semaphore(%arg10 : memref<!tpu.dma_semaphore, #tpu.memory_space<semaphore_mem>>)
      %dma_wait3A_321 = arith.constant 0 : i32
      %dma_wait3A_322 = arith.constant 0 : i32
      %dma_wait3A_323 = arith.constant 0 : i32
      %dma_wait3A_324 = tpu.memref_slice %arg8[%dma_wait3A_321, %dma_wait3A_322, %dma_wait3A_323] : memref<26x16x128xf32, #tpu.memory_space<vmem>> -> memref<1x16x128xf32, #tpu.memory_space<vmem>>
      %dma_wait3A_325 = tpu.memref_squeeze %dma_wait3A_324 : memref<1x16x128xf32, #tpu.memory_space<vmem>> -> memref<16x128xf32, #tpu.memory_space<vmem>>
      %dma_wait3A_326 = tpu.memref_slice %arg6[%add3A_36] : memref<13312xi32, #tpu.memory_space<vmem>> -> memref<16xi32, #tpu.memory_space<vmem>>
      %dma_wait3A_327 = arith.constant 0 : i32
      %dma_wait3A_328 = arith.constant 0 : i32
      %dma_wait3A_329 = tpu.memref_slice %arg2[%dma_wait3A_327, %dma_wait3A_328] : memref<851968x128xf32, #tpu.memory_space<hbm>> -> memref<851968x128xf32, #tpu.memory_space<hbm>>
      tpu.wait_indirect_dma semaphore(%arg10 : memref<!tpu.dma_semaphore, #tpu.memory_space<semaphore_mem>>) src(%dma_wait3A_329 : memref<851968x128xf32, #tpu.memory_space<hbm>>) dst(%dma_wait3A_325 : memref<16x128xf32, #tpu.memory_space<vmem>>)
      %dma_wait3A_330 = arith.constant 1 : i32
      %dma_wait3A_331 = arith.constant 0 : i32
      %dma_wait3A_332 = arith.constant 0 : i32
      %dma_wait3A_333 = tpu.memref_slice %arg8[%dma_wait3A_330, %dma_wait3A_331, %dma_wait3A_332] : memref<26x16x128xf32, #tpu.memory_space<vmem>> -> memref<1x16x128xf32, #tpu.memory_space<vmem>>
      %dma_wait3A_334 = tpu.memref_squeeze %dma_wait3A_333 : memref<1x16x128xf32, #tpu.memory_space<vmem>> -> memref<16x128xf32, #tpu.memory_space<vmem>>
      %dma_wait3A_335 = tpu.memref_slice %arg6[%add3A_47] : memref<13312xi32, #tpu.memory_space<vmem>> -> memref<16xi32, #tpu.memory_space<vmem>>
      %dma_wait3A_336 = arith.constant 0 : i32
      %dma_wait3A_337 = arith.constant 0 : i32
      %dma_wait3A_338 = tpu.memref_slice %arg2[%dma_wait3A_336, %dma_wait3A_337] : memref<851968x128xf32, #tpu.memory_space<hbm>> -> memref<851968x128xf32, #tpu.memory_space<hbm>>
      tpu.wait_indirect_dma semaphore(%arg10 : memref<!tpu.dma_semaphore, #tpu.memory_space<semaphore_mem>>) src(%dma_wait3A_338 : memref<851968x128xf32, #tpu.memory_space<hbm>>) dst(%dma_wait3A_334 : memref<16x128xf32, #tpu.memory_space<vmem>>)
      %dma_wait3A_339 = arith.constant 2 : i32
      %dma_wait3A_340 = arith.constant 0 : i32
      %dma_wait3A_341 = arith.constant 0 : i32
      %dma_wait3A_342 = tpu.memref_slice %arg8[%dma_wait3A_339, %dma_wait3A_340, %dma_wait3A_341] : memref<26x16x128xf32, #tpu.memory_space<vmem>> -> memref<1x16x128xf32, #tpu.memory_space<vmem>>
      %dma_wait3A_343 = tpu.memref_squeeze %dma_wait3A_342 : memref<1x16x128xf32, #tpu.memory_space<vmem>> -> memref<16x128xf32, #tpu.memory_space<vmem>>
      %dma_wait3A_344 = tpu.memref_slice %arg6[%add3A_58] : memref<13312xi32, #tpu.memory_space<vmem>> -> memref<16xi32, #tpu.memory_space<vmem>>
      %dma_wait3A_345 = arith.constant 0 : i32
      %dma_wait3A_346 = arith.constant 0 : i32
      %dma_wait3A_347 = tpu.memref_slice %arg2[%dma_wait3A_345, %dma_wait3A_346] : memref<851968x128xf32, #tpu.memory_space<hbm>> -> memref<851968x128xf32, #tpu.memory_space<hbm>>
      tpu.wait_indirect_dma semaphore(%arg10 : memref<!tpu.dma_semaphore, #tpu.memory_space<semaphore_mem>>) src(%dma_wait3A_347 : memref<851968x128xf32, #tpu.memory_space<hbm>>) dst(%dma_wait3A_343 : memref<16x128xf32, #tpu.memory_space<vmem>>)
      %dma_wait3A_348 = arith.constant 3 : i32
      %dma_wait3A_349 = arith.constant 0 : i32
      %dma_wait3A_350 = arith.constant 0 : i32
      %dma_wait3A_351 = tpu.memref_slice %arg8[%dma_wait3A_348, %dma_wait3A_349, %dma_wait3A_350] : memref<26x16x128xf32, #tpu.memory_space<vmem>> -> memref<1x16x128xf32, #tpu.memory_space<vmem>>
      %dma_wait3A_352 = tpu.memref_squeeze %dma_wait3A_351 : memref<1x16x128xf32, #tpu.memory_space<vmem>> -> memref<16x128xf32, #tpu.memory_space<vmem>>
      %dma_wait3A_353 = tpu.memref_slice %arg6[%add3A_69] : memref<13312xi32, #tpu.memory_space<vmem>> -> memref<16xi32, #tpu.memory_space<vmem>>
      %dma_wait3A_354 = arith.constant 0 : i32
      %dma_wait3A_355 = arith.constant 0 : i32
      %dma_wait3A_356 = tpu.memref_slice %arg2[%dma_wait3A_354, %dma_wait3A_355] : memref<851968x128xf32, #tpu.memory_space<hbm>> -> memref<851968x128xf32, #tpu.memory_space<hbm>>
      tpu.wait_indirect_dma semaphore(%arg10 : memref<!tpu.dma_semaphore, #tpu.memory_space<semaphore_mem>>) src(%dma_wait3A_356 : memref<851968x128xf32, #tpu.memory_space<hbm>>) dst(%dma_wait3A_352 : memref<16x128xf32, #tpu.memory_space<vmem>>)
      %dma_wait3A_357 = arith.constant 4 : i32
      %dma_wait3A_358 = arith.constant 0 : i32
      %dma_wait3A_359 = arith.constant 0 : i32
      %dma_wait3A_360 = tpu.memref_slice %arg8[%dma_wait3A_357, %dma_wait3A_358, %dma_wait3A_359] : memref<26x16x128xf32, #tpu.memory_space<vmem>> -> memref<1x16x128xf32, #tpu.memory_space<vmem>>
      %dma_wait3A_361 = tpu.memref_squeeze %dma_wait3A_360 : memref<1x16x128xf32, #tpu.memory_space<vmem>> -> memref<16x128xf32, #tpu.memory_space<vmem>>
      %dma_wait3A_362 = tpu.memref_slice %arg6[%add3A_80] : memref<13312xi32, #tpu.memory_space<vmem>> -> memref<16xi32, #tpu.memory_space<vmem>>
      %dma_wait3A_363 = arith.constant 0 : i32
      %dma_wait3A_364 = arith.constant 0 : i32
      %dma_wait3A_365 = tpu.memref_slice %arg2[%dma_wait3A_363, %dma_wait3A_364] : memref<851968x128xf32, #tpu.memory_space<hbm>> -> memref<851968x128xf32, #tpu.memory_space<hbm>>
      tpu.wait_indirect_dma semaphore(%arg10 : memref<!tpu.dma_semaphore, #tpu.memory_space<semaphore_mem>>) src(%dma_wait3A_365 : memref<851968x128xf32, #tpu.memory_space<hbm>>) dst(%dma_wait3A_361 : memref<16x128xf32, #tpu.memory_space<vmem>>)
      %dma_wait3A_366 = arith.constant 5 : i32
      %dma_wait3A_367 = arith.constant 0 : i32
      %dma_wait3A_368 = arith.constant 0 : i32
      %dma_wait3A_369 = tpu.memref_slice %arg8[%dma_wait3A_366, %dma_wait3A_367, %dma_wait3A_368] : memref<26x16x128xf32, #tpu.memory_space<vmem>> -> memref<1x16x128xf32, #tpu.memory_space<vmem>>
      %dma_wait3A_370 = tpu.memref_squeeze %dma_wait3A_369 : memref<1x16x128xf32, #tpu.memory_space<vmem>> -> memref<16x128xf32, #tpu.memory_space<vmem>>
      %dma_wait3A_371 = tpu.memref_slice %arg6[%add3A_91] : memref<13312xi32, #tpu.memory_space<vmem>> -> memref<16xi32, #tpu.memory_space<vmem>>
      %dma_wait3A_372 = arith.constant 0 : i32
      %dma_wait3A_373 = arith.constant 0 : i32
      %dma_wait3A_374 = tpu.memref_slice %arg2[%dma_wait3A_372, %dma_wait3A_373] : memref<851968x128xf32, #tpu.memory_space<hbm>> -> memref<851968x128xf32, #tpu.memory_space<hbm>>
      tpu.wait_indirect_dma semaphore(%arg10 : memref<!tpu.dma_semaphore, #tpu.memory_space<semaphore_mem>>) src(%dma_wait3A_374 : memref<851968x128xf32, #tpu.memory_space<hbm>>) dst(%dma_wait3A_370 : memref<16x128xf32, #tpu.memory_space<vmem>>)
      %dma_wait3A_375 = arith.constant 6 : i32
      %dma_wait3A_376 = arith.constant 0 : i32
      %dma_wait3A_377 = arith.constant 0 : i32
      %dma_wait3A_378 = tpu.memref_slice %arg8[%dma_wait3A_375, %dma_wait3A_376, %dma_wait3A_377] : memref<26x16x128xf32, #tpu.memory_space<vmem>> -> memref<1x16x128xf32, #tpu.memory_space<vmem>>
      %dma_wait3A_379 = tpu.memref_squeeze %dma_wait3A_378 : memref<1x16x128xf32, #tpu.memory_space<vmem>> -> memref<16x128xf32, #tpu.memory_space<vmem>>
      %dma_wait3A_380 = tpu.memref_slice %arg6[%add3A_102] : memref<13312xi32, #tpu.memory_space<vmem>> -> memref<16xi32, #tpu.memory_space<vmem>>
      %dma_wait3A_381 = arith.constant 0 : i32
      %dma_wait3A_382 = arith.constant 0 : i32
      %dma_wait3A_383 = tpu.memref_slice %arg2[%dma_wait3A_381, %dma_wait3A_382] : memref<851968x128xf32, #tpu.memory_space<hbm>> -> memref<851968x128xf32, #tpu.memory_space<hbm>>
      tpu.wait_indirect_dma semaphore(%arg10 : memref<!tpu.dma_semaphore, #tpu.memory_space<semaphore_mem>>) src(%dma_wait3A_383 : memref<851968x128xf32, #tpu.memory_space<hbm>>) dst(%dma_wait3A_379 : memref<16x128xf32, #tpu.memory_space<vmem>>)
      %dma_wait3A_384 = arith.constant 7 : i32
      %dma_wait3A_385 = arith.constant 0 : i32
      %dma_wait3A_386 = arith.constant 0 : i32
      %dma_wait3A_387 = tpu.memref_slice %arg8[%dma_wait3A_384, %dma_wait3A_385, %dma_wait3A_386] : memref<26x16x128xf32, #tpu.memory_space<vmem>> -> memref<1x16x128xf32, #tpu.memory_space<vmem>>
      %dma_wait3A_388 = tpu.memref_squeeze %dma_wait3A_387 : memref<1x16x128xf32, #tpu.memory_space<vmem>> -> memref<16x128xf32, #tpu.memory_space<vmem>>
      %dma_wait3A_389 = tpu.memref_slice %arg6[%add3A_113] : memref<13312xi32, #tpu.memory_space<vmem>> -> memref<16xi32, #tpu.memory_space<vmem>>
      %dma_wait3A_390 = arith.constant 0 : i32
      %dma_wait3A_391 = arith.constant 0 : i32
      %dma_wait3A_392 = tpu.memref_slice %arg2[%dma_wait3A_390, %dma_wait3A_391] : memref<851968x128xf32, #tpu.memory_space<hbm>> -> memref<851968x128xf32, #tpu.memory_space<hbm>>
      tpu.wait_indirect_dma semaphore(%arg10 : memref<!tpu.dma_semaphore, #tpu.memory_space<semaphore_mem>>) src(%dma_wait3A_392 : memref<851968x128xf32, #tpu.memory_space<hbm>>) dst(%dma_wait3A_388 : memref<16x128xf32, #tpu.memory_space<vmem>>)
      %dma_wait3A_393 = arith.constant 8 : i32
      %dma_wait3A_394 = arith.constant 0 : i32
      %dma_wait3A_395 = arith.constant 0 : i32
      %dma_wait3A_396 = tpu.memref_slice %arg8[%dma_wait3A_393, %dma_wait3A_394, %dma_wait3A_395] : memref<26x16x128xf32, #tpu.memory_space<vmem>> -> memref<1x16x128xf32, #tpu.memory_space<vmem>>
      %dma_wait3A_397 = tpu.memref_squeeze %dma_wait3A_396 : memref<1x16x128xf32, #tpu.memory_space<vmem>> -> memref<16x128xf32, #tpu.memory_space<vmem>>
      %dma_wait3A_398 = tpu.memref_slice %arg6[%add3A_124] : memref<13312xi32, #tpu.memory_space<vmem>> -> memref<16xi32, #tpu.memory_space<vmem>>
      %dma_wait3A_399 = arith.constant 0 : i32
      %dma_wait3A_400 = arith.constant 0 : i32
      %dma_wait3A_401 = tpu.memref_slice %arg2[%dma_wait3A_399, %dma_wait3A_400] : memref<851968x128xf32, #tpu.memory_space<hbm>> -> memref<851968x128xf32, #tpu.memory_space<hbm>>
      tpu.wait_indirect_dma semaphore(%arg10 : memref<!tpu.dma_semaphore, #tpu.memory_space<semaphore_mem>>) src(%dma_wait3A_401 : memref<851968x128xf32, #tpu.memory_space<hbm>>) dst(%dma_wait3A_397 : memref<16x128xf32, #tpu.memory_space<vmem>>)
      %dma_wait3A_402 = arith.constant 9 : i32
      %dma_wait3A_403 = arith.constant 0 : i32
      %dma_wait3A_404 = arith.constant 0 : i32
      %dma_wait3A_405 = tpu.memref_slice %arg8[%dma_wait3A_402, %dma_wait3A_403, %dma_wait3A_404] : memref<26x16x128xf32, #tpu.memory_space<vmem>> -> memref<1x16x128xf32, #tpu.memory_space<vmem>>
      %dma_wait3A_406 = tpu.memref_squeeze %dma_wait3A_405 : memref<1x16x128xf32, #tpu.memory_space<vmem>> -> memref<16x128xf32, #tpu.memory_space<vmem>>
      %dma_wait3A_407 = tpu.memref_slice %arg6[%add3A_135] : memref<13312xi32, #tpu.memory_space<vmem>> -> memref<16xi32, #tpu.memory_space<vmem>>
      %dma_wait3A_408 = arith.constant 0 : i32
      %dma_wait3A_409 = arith.constant 0 : i32
      %dma_wait3A_410 = tpu.memref_slice %arg2[%dma_wait3A_408, %dma_wait3A_409] : memref<851968x128xf32, #tpu.memory_space<hbm>> -> memref<851968x128xf32, #tpu.memory_space<hbm>>
      tpu.wait_indirect_dma semaphore(%arg10 : memref<!tpu.dma_semaphore, #tpu.memory_space<semaphore_mem>>) src(%dma_wait3A_410 : memref<851968x128xf32, #tpu.memory_space<hbm>>) dst(%dma_wait3A_406 : memref<16x128xf32, #tpu.memory_space<vmem>>)
      %dma_wait3A_411 = arith.constant 10 : i32
      %dma_wait3A_412 = arith.constant 0 : i32
      %dma_wait3A_413 = arith.constant 0 : i32
      %dma_wait3A_414 = tpu.memref_slice %arg8[%dma_wait3A_411, %dma_wait3A_412, %dma_wait3A_413] : memref<26x16x128xf32, #tpu.memory_space<vmem>> -> memref<1x16x128xf32, #tpu.memory_space<vmem>>
      %dma_wait3A_415 = tpu.memref_squeeze %dma_wait3A_414 : memref<1x16x128xf32, #tpu.memory_space<vmem>> -> memref<16x128xf32, #tpu.memory_space<vmem>>
      %dma_wait3A_416 = tpu.memref_slice %arg6[%add3A_146] : memref<13312xi32, #tpu.memory_space<vmem>> -> memref<16xi32, #tpu.memory_space<vmem>>
      %dma_wait3A_417 = arith.constant 0 : i32
      %dma_wait3A_418 = arith.constant 0 : i32
      %dma_wait3A_419 = tpu.memref_slice %arg2[%dma_wait3A_417, %dma_wait3A_418] : memref<851968x128xf32, #tpu.memory_space<hbm>> -> memref<851968x128xf32, #tpu.memory_space<hbm>>
      tpu.wait_indirect_dma semaphore(%arg10 : memref<!tpu.dma_semaphore, #tpu.memory_space<semaphore_mem>>) src(%dma_wait3A_419 : memref<851968x128xf32, #tpu.memory_space<hbm>>) dst(%dma_wait3A_415 : memref<16x128xf32, #tpu.memory_space<vmem>>)
      %dma_wait3A_420 = arith.constant 11 : i32
      %dma_wait3A_421 = arith.constant 0 : i32
      %dma_wait3A_422 = arith.constant 0 : i32
      %dma_wait3A_423 = tpu.memref_slice %arg8[%dma_wait3A_420, %dma_wait3A_421, %dma_wait3A_422] : memref<26x16x128xf32, #tpu.memory_space<vmem>> -> memref<1x16x128xf32, #tpu.memory_space<vmem>>
      %dma_wait3A_424 = tpu.memref_squeeze %dma_wait3A_423 : memref<1x16x128xf32, #tpu.memory_space<vmem>> -> memref<16x128xf32, #tpu.memory_space<vmem>>
      %dma_wait3A_425 = tpu.memref_slice %arg6[%add3A_157] : memref<13312xi32, #tpu.memory_space<vmem>> -> memref<16xi32, #tpu.memory_space<vmem>>
      %dma_wait3A_426 = arith.constant 0 : i32
      %dma_wait3A_427 = arith.constant 0 : i32
      %dma_wait3A_428 = tpu.memref_slice %arg2[%dma_wait3A_426, %dma_wait3A_427] : memref<851968x128xf32, #tpu.memory_space<hbm>> -> memref<851968x128xf32, #tpu.memory_space<hbm>>
      tpu.wait_indirect_dma semaphore(%arg10 : memref<!tpu.dma_semaphore, #tpu.memory_space<semaphore_mem>>) src(%dma_wait3A_428 : memref<851968x128xf32, #tpu.memory_space<hbm>>) dst(%dma_wait3A_424 : memref<16x128xf32, #tpu.memory_space<vmem>>)
      %dma_wait3A_429 = arith.constant 12 : i32
      %dma_wait3A_430 = arith.constant 0 : i32
      %dma_wait3A_431 = arith.constant 0 : i32
      %dma_wait3A_432 = tpu.memref_slice %arg8[%dma_wait3A_429, %dma_wait3A_430, %dma_wait3A_431] : memref<26x16x128xf32, #tpu.memory_space<vmem>> -> memref<1x16x128xf32, #tpu.memory_space<vmem>>
      %dma_wait3A_433 = tpu.memref_squeeze %dma_wait3A_432 : memref<1x16x128xf32, #tpu.memory_space<vmem>> -> memref<16x128xf32, #tpu.memory_space<vmem>>
      %dma_wait3A_434 = tpu.memref_slice %arg6[%add3A_168] : memref<13312xi32, #tpu.memory_space<vmem>> -> memref<16xi32, #tpu.memory_space<vmem>>
      %dma_wait3A_435 = arith.constant 0 : i32
      %dma_wait3A_436 = arith.constant 0 : i32
      %dma_wait3A_437 = tpu.memref_slice %arg2[%dma_wait3A_435, %dma_wait3A_436] : memref<851968x128xf32, #tpu.memory_space<hbm>> -> memref<851968x128xf32, #tpu.memory_space<hbm>>
      tpu.wait_indirect_dma semaphore(%arg10 : memref<!tpu.dma_semaphore, #tpu.memory_space<semaphore_mem>>) src(%dma_wait3A_437 : memref<851968x128xf32, #tpu.memory_space<hbm>>) dst(%dma_wait3A_433 : memref<16x128xf32, #tpu.memory_space<vmem>>)
      %dma_wait3A_438 = arith.constant 13 : i32
      %dma_wait3A_439 = arith.constant 0 : i32
      %dma_wait3A_440 = arith.constant 0 : i32
      %dma_wait3A_441 = tpu.memref_slice %arg8[%dma_wait3A_438, %dma_wait3A_439, %dma_wait3A_440] : memref<26x16x128xf32, #tpu.memory_space<vmem>> -> memref<1x16x128xf32, #tpu.memory_space<vmem>>
      %dma_wait3A_442 = tpu.memref_squeeze %dma_wait3A_441 : memref<1x16x128xf32, #tpu.memory_space<vmem>> -> memref<16x128xf32, #tpu.memory_space<vmem>>
      %dma_wait3A_443 = tpu.memref_slice %arg6[%add3A_179] : memref<13312xi32, #tpu.memory_space<vmem>> -> memref<16xi32, #tpu.memory_space<vmem>>
      %dma_wait3A_444 = arith.constant 0 : i32
      %dma_wait3A_445 = arith.constant 0 : i32
      %dma_wait3A_446 = tpu.memref_slice %arg2[%dma_wait3A_444, %dma_wait3A_445] : memref<851968x128xf32, #tpu.memory_space<hbm>> -> memref<851968x128xf32, #tpu.memory_space<hbm>>
      tpu.wait_indirect_dma semaphore(%arg10 : memref<!tpu.dma_semaphore, #tpu.memory_space<semaphore_mem>>) src(%dma_wait3A_446 : memref<851968x128xf32, #tpu.memory_space<hbm>>) dst(%dma_wait3A_442 : memref<16x128xf32, #tpu.memory_space<vmem>>)
      %dma_wait3A_447 = arith.constant 14 : i32
      %dma_wait3A_448 = arith.constant 0 : i32
      %dma_wait3A_449 = arith.constant 0 : i32
      %dma_wait3A_450 = tpu.memref_slice %arg8[%dma_wait3A_447, %dma_wait3A_448, %dma_wait3A_449] : memref<26x16x128xf32, #tpu.memory_space<vmem>> -> memref<1x16x128xf32, #tpu.memory_space<vmem>>
      %dma_wait3A_451 = tpu.memref_squeeze %dma_wait3A_450 : memref<1x16x128xf32, #tpu.memory_space<vmem>> -> memref<16x128xf32, #tpu.memory_space<vmem>>
      %dma_wait3A_452 = tpu.memref_slice %arg6[%add3A_190] : memref<13312xi32, #tpu.memory_space<vmem>> -> memref<16xi32, #tpu.memory_space<vmem>>
      %dma_wait3A_453 = arith.constant 0 : i32
      %dma_wait3A_454 = arith.constant 0 : i32
      %dma_wait3A_455 = tpu.memref_slice %arg2[%dma_wait3A_453, %dma_wait3A_454] : memref<851968x128xf32, #tpu.memory_space<hbm>> -> memref<851968x128xf32, #tpu.memory_space<hbm>>
      tpu.wait_indirect_dma semaphore(%arg10 : memref<!tpu.dma_semaphore, #tpu.memory_space<semaphore_mem>>) src(%dma_wait3A_455 : memref<851968x128xf32, #tpu.memory_space<hbm>>) dst(%dma_wait3A_451 : memref<16x128xf32, #tpu.memory_space<vmem>>)
      %dma_wait3A_456 = arith.constant 15 : i32
      %dma_wait3A_457 = arith.constant 0 : i32
      %dma_wait3A_458 = arith.constant 0 : i32
      %dma_wait3A_459 = tpu.memref_slice %arg8[%dma_wait3A_456, %dma_wait3A_457, %dma_wait3A_458] : memref<26x16x128xf32, #tpu.memory_space<vmem>> -> memref<1x16x128xf32, #tpu.memory_space<vmem>>
      %dma_wait3A_460 = tpu.memref_squeeze %dma_wait3A_459 : memref<1x16x128xf32, #tpu.memory_space<vmem>> -> memref<16x128xf32, #tpu.memory_space<vmem>>
      %dma_wait3A_461 = tpu.memref_slice %arg6[%add3A_201] : memref<13312xi32, #tpu.memory_space<vmem>> -> memref<16xi32, #tpu.memory_space<vmem>>
      %dma_wait3A_462 = arith.constant 0 : i32
      %dma_wait3A_463 = arith.constant 0 : i32
      %dma_wait3A_464 = tpu.memref_slice %arg2[%dma_wait3A_462, %dma_wait3A_463] : memref<851968x128xf32, #tpu.memory_space<hbm>> -> memref<851968x128xf32, #tpu.memory_space<hbm>>
      tpu.wait_indirect_dma semaphore(%arg10 : memref<!tpu.dma_semaphore, #tpu.memory_space<semaphore_mem>>) src(%dma_wait3A_464 : memref<851968x128xf32, #tpu.memory_space<hbm>>) dst(%dma_wait3A_460 : memref<16x128xf32, #tpu.memory_space<vmem>>)
      %dma_wait3A_465 = arith.constant 16 : i32
      %dma_wait3A_466 = arith.constant 0 : i32
      %dma_wait3A_467 = arith.constant 0 : i32
      %dma_wait3A_468 = tpu.memref_slice %arg8[%dma_wait3A_465, %dma_wait3A_466, %dma_wait3A_467] : memref<26x16x128xf32, #tpu.memory_space<vmem>> -> memref<1x16x128xf32, #tpu.memory_space<vmem>>
      %dma_wait3A_469 = tpu.memref_squeeze %dma_wait3A_468 : memref<1x16x128xf32, #tpu.memory_space<vmem>> -> memref<16x128xf32, #tpu.memory_space<vmem>>
      %dma_wait3A_470 = tpu.memref_slice %arg6[%add3A_212] : memref<13312xi32, #tpu.memory_space<vmem>> -> memref<16xi32, #tpu.memory_space<vmem>>
      %dma_wait3A_471 = arith.constant 0 : i32
      %dma_wait3A_472 = arith.constant 0 : i32
      %dma_wait3A_473 = tpu.memref_slice %arg2[%dma_wait3A_471, %dma_wait3A_472] : memref<851968x128xf32, #tpu.memory_space<hbm>> -> memref<851968x128xf32, #tpu.memory_space<hbm>>
      tpu.wait_indirect_dma semaphore(%arg10 : memref<!tpu.dma_semaphore, #tpu.memory_space<semaphore_mem>>) src(%dma_wait3A_473 : memref<851968x128xf32, #tpu.memory_space<hbm>>) dst(%dma_wait3A_469 : memref<16x128xf32, #tpu.memory_space<vmem>>)
      %dma_wait3A_474 = arith.constant 17 : i32
      %dma_wait3A_475 = arith.constant 0 : i32
      %dma_wait3A_476 = arith.constant 0 : i32
      %dma_wait3A_477 = tpu.memref_slice %arg8[%dma_wait3A_474, %dma_wait3A_475, %dma_wait3A_476] : memref<26x16x128xf32, #tpu.memory_space<vmem>> -> memref<1x16x128xf32, #tpu.memory_space<vmem>>
      %dma_wait3A_478 = tpu.memref_squeeze %dma_wait3A_477 : memref<1x16x128xf32, #tpu.memory_space<vmem>> -> memref<16x128xf32, #tpu.memory_space<vmem>>
      %dma_wait3A_479 = tpu.memref_slice %arg6[%add3A_223] : memref<13312xi32, #tpu.memory_space<vmem>> -> memref<16xi32, #tpu.memory_space<vmem>>
      %dma_wait3A_480 = arith.constant 0 : i32
      %dma_wait3A_481 = arith.constant 0 : i32
      %dma_wait3A_482 = tpu.memref_slice %arg2[%dma_wait3A_480, %dma_wait3A_481] : memref<851968x128xf32, #tpu.memory_space<hbm>> -> memref<851968x128xf32, #tpu.memory_space<hbm>>
      tpu.wait_indirect_dma semaphore(%arg10 : memref<!tpu.dma_semaphore, #tpu.memory_space<semaphore_mem>>) src(%dma_wait3A_482 : memref<851968x128xf32, #tpu.memory_space<hbm>>) dst(%dma_wait3A_478 : memref<16x128xf32, #tpu.memory_space<vmem>>)
      %dma_wait3A_483 = arith.constant 18 : i32
      %dma_wait3A_484 = arith.constant 0 : i32
      %dma_wait3A_485 = arith.constant 0 : i32
      %dma_wait3A_486 = tpu.memref_slice %arg8[%dma_wait3A_483, %dma_wait3A_484, %dma_wait3A_485] : memref<26x16x128xf32, #tpu.memory_space<vmem>> -> memref<1x16x128xf32, #tpu.memory_space<vmem>>
      %dma_wait3A_487 = tpu.memref_squeeze %dma_wait3A_486 : memref<1x16x128xf32, #tpu.memory_space<vmem>> -> memref<16x128xf32, #tpu.memory_space<vmem>>
      %dma_wait3A_488 = tpu.memref_slice %arg6[%add3A_234] : memref<13312xi32, #tpu.memory_space<vmem>> -> memref<16xi32, #tpu.memory_space<vmem>>
      %dma_wait3A_489 = arith.constant 0 : i32
      %dma_wait3A_490 = arith.constant 0 : i32
      %dma_wait3A_491 = tpu.memref_slice %arg2[%dma_wait3A_489, %dma_wait3A_490] : memref<851968x128xf32, #tpu.memory_space<hbm>> -> memref<851968x128xf32, #tpu.memory_space<hbm>>
      tpu.wait_indirect_dma semaphore(%arg10 : memref<!tpu.dma_semaphore, #tpu.memory_space<semaphore_mem>>) src(%dma_wait3A_491 : memref<851968x128xf32, #tpu.memory_space<hbm>>) dst(%dma_wait3A_487 : memref<16x128xf32, #tpu.memory_space<vmem>>)
      %dma_wait3A_492 = arith.constant 19 : i32
      %dma_wait3A_493 = arith.constant 0 : i32
      %dma_wait3A_494 = arith.constant 0 : i32
      %dma_wait3A_495 = tpu.memref_slice %arg8[%dma_wait3A_492, %dma_wait3A_493, %dma_wait3A_494] : memref<26x16x128xf32, #tpu.memory_space<vmem>> -> memref<1x16x128xf32, #tpu.memory_space<vmem>>
      %dma_wait3A_496 = tpu.memref_squeeze %dma_wait3A_495 : memref<1x16x128xf32, #tpu.memory_space<vmem>> -> memref<16x128xf32, #tpu.memory_space<vmem>>
      %dma_wait3A_497 = tpu.memref_slice %arg6[%add3A_245] : memref<13312xi32, #tpu.memory_space<vmem>> -> memref<16xi32, #tpu.memory_space<vmem>>
      %dma_wait3A_498 = arith.constant 0 : i32
      %dma_wait3A_499 = arith.constant 0 : i32
      %dma_wait3A_500 = tpu.memref_slice %arg2[%dma_wait3A_498, %dma_wait3A_499] : memref<851968x128xf32, #tpu.memory_space<hbm>> -> memref<851968x128xf32, #tpu.memory_space<hbm>>
      tpu.wait_indirect_dma semaphore(%arg10 : memref<!tpu.dma_semaphore, #tpu.memory_space<semaphore_mem>>) src(%dma_wait3A_500 : memref<851968x128xf32, #tpu.memory_space<hbm>>) dst(%dma_wait3A_496 : memref<16x128xf32, #tpu.memory_space<vmem>>)
      %dma_wait3A_501 = arith.constant 20 : i32
      %dma_wait3A_502 = arith.constant 0 : i32
      %dma_wait3A_503 = arith.constant 0 : i32
      %dma_wait3A_504 = tpu.memref_slice %arg8[%dma_wait3A_501, %dma_wait3A_502, %dma_wait3A_503] : memref<26x16x128xf32, #tpu.memory_space<vmem>> -> memref<1x16x128xf32, #tpu.memory_space<vmem>>
      %dma_wait3A_505 = tpu.memref_squeeze %dma_wait3A_504 : memref<1x16x128xf32, #tpu.memory_space<vmem>> -> memref<16x128xf32, #tpu.memory_space<vmem>>
      %dma_wait3A_506 = tpu.memref_slice %arg6[%add3A_256] : memref<13312xi32, #tpu.memory_space<vmem>> -> memref<16xi32, #tpu.memory_space<vmem>>
      %dma_wait3A_507 = arith.constant 0 : i32
      %dma_wait3A_508 = arith.constant 0 : i32
      %dma_wait3A_509 = tpu.memref_slice %arg2[%dma_wait3A_507, %dma_wait3A_508] : memref<851968x128xf32, #tpu.memory_space<hbm>> -> memref<851968x128xf32, #tpu.memory_space<hbm>>
      tpu.wait_indirect_dma semaphore(%arg10 : memref<!tpu.dma_semaphore, #tpu.memory_space<semaphore_mem>>) src(%dma_wait3A_509 : memref<851968x128xf32, #tpu.memory_space<hbm>>) dst(%dma_wait3A_505 : memref<16x128xf32, #tpu.memory_space<vmem>>)
      %dma_wait3A_510 = arith.constant 21 : i32
      %dma_wait3A_511 = arith.constant 0 : i32
      %dma_wait3A_512 = arith.constant 0 : i32
      %dma_wait3A_513 = tpu.memref_slice %arg8[%dma_wait3A_510, %dma_wait3A_511, %dma_wait3A_512] : memref<26x16x128xf32, #tpu.memory_space<vmem>> -> memref<1x16x128xf32, #tpu.memory_space<vmem>>
      %dma_wait3A_514 = tpu.memref_squeeze %dma_wait3A_513 : memref<1x16x128xf32, #tpu.memory_space<vmem>> -> memref<16x128xf32, #tpu.memory_space<vmem>>
      %dma_wait3A_515 = tpu.memref_slice %arg6[%add3A_267] : memref<13312xi32, #tpu.memory_space<vmem>> -> memref<16xi32, #tpu.memory_space<vmem>>
      %dma_wait3A_516 = arith.constant 0 : i32
      %dma_wait3A_517 = arith.constant 0 : i32
      %dma_wait3A_518 = tpu.memref_slice %arg2[%dma_wait3A_516, %dma_wait3A_517] : memref<851968x128xf32, #tpu.memory_space<hbm>> -> memref<851968x128xf32, #tpu.memory_space<hbm>>
      tpu.wait_indirect_dma semaphore(%arg10 : memref<!tpu.dma_semaphore, #tpu.memory_space<semaphore_mem>>) src(%dma_wait3A_518 : memref<851968x128xf32, #tpu.memory_space<hbm>>) dst(%dma_wait3A_514 : memref<16x128xf32, #tpu.memory_space<vmem>>)
      %dma_wait3A_519 = arith.constant 22 : i32
      %dma_wait3A_520 = arith.constant 0 : i32
      %dma_wait3A_521 = arith.constant 0 : i32
      %dma_wait3A_522 = tpu.memref_slice %arg8[%dma_wait3A_519, %dma_wait3A_520, %dma_wait3A_521] : memref<26x16x128xf32, #tpu.memory_space<vmem>> -> memref<1x16x128xf32, #tpu.memory_space<vmem>>
      %dma_wait3A_523 = tpu.memref_squeeze %dma_wait3A_522 : memref<1x16x128xf32, #tpu.memory_space<vmem>> -> memref<16x128xf32, #tpu.memory_space<vmem>>
      %dma_wait3A_524 = tpu.memref_slice %arg6[%add3A_278] : memref<13312xi32, #tpu.memory_space<vmem>> -> memref<16xi32, #tpu.memory_space<vmem>>
      %dma_wait3A_525 = arith.constant 0 : i32
      %dma_wait3A_526 = arith.constant 0 : i32
      %dma_wait3A_527 = tpu.memref_slice %arg2[%dma_wait3A_525, %dma_wait3A_526] : memref<851968x128xf32, #tpu.memory_space<hbm>> -> memref<851968x128xf32, #tpu.memory_space<hbm>>
      tpu.wait_indirect_dma semaphore(%arg10 : memref<!tpu.dma_semaphore, #tpu.memory_space<semaphore_mem>>) src(%dma_wait3A_527 : memref<851968x128xf32, #tpu.memory_space<hbm>>) dst(%dma_wait3A_523 : memref<16x128xf32, #tpu.memory_space<vmem>>)
      %dma_wait3A_528 = arith.constant 23 : i32
      %dma_wait3A_529 = arith.constant 0 : i32
      %dma_wait3A_530 = arith.constant 0 : i32
      %dma_wait3A_531 = tpu.memref_slice %arg8[%dma_wait3A_528, %dma_wait3A_529, %dma_wait3A_530] : memref<26x16x128xf32, #tpu.memory_space<vmem>> -> memref<1x16x128xf32, #tpu.memory_space<vmem>>
      %dma_wait3A_532 = tpu.memref_squeeze %dma_wait3A_531 : memref<1x16x128xf32, #tpu.memory_space<vmem>> -> memref<16x128xf32, #tpu.memory_space<vmem>>
      %dma_wait3A_533 = tpu.memref_slice %arg6[%add3A_289] : memref<13312xi32, #tpu.memory_space<vmem>> -> memref<16xi32, #tpu.memory_space<vmem>>
      %dma_wait3A_534 = arith.constant 0 : i32
      %dma_wait3A_535 = arith.constant 0 : i32
      %dma_wait3A_536 = tpu.memref_slice %arg2[%dma_wait3A_534, %dma_wait3A_535] : memref<851968x128xf32, #tpu.memory_space<hbm>> -> memref<851968x128xf32, #tpu.memory_space<hbm>>
      tpu.wait_indirect_dma semaphore(%arg10 : memref<!tpu.dma_semaphore, #tpu.memory_space<semaphore_mem>>) src(%dma_wait3A_536 : memref<851968x128xf32, #tpu.memory_space<hbm>>) dst(%dma_wait3A_532 : memref<16x128xf32, #tpu.memory_space<vmem>>)
      %dma_wait3A_537 = arith.constant 24 : i32
      %dma_wait3A_538 = arith.constant 0 : i32
      %dma_wait3A_539 = arith.constant 0 : i32
      %dma_wait3A_540 = tpu.memref_slice %arg8[%dma_wait3A_537, %dma_wait3A_538, %dma_wait3A_539] : memref<26x16x128xf32, #tpu.memory_space<vmem>> -> memref<1x16x128xf32, #tpu.memory_space<vmem>>
      %dma_wait3A_541 = tpu.memref_squeeze %dma_wait3A_540 : memref<1x16x128xf32, #tpu.memory_space<vmem>> -> memref<16x128xf32, #tpu.memory_space<vmem>>
      %dma_wait3A_542 = tpu.memref_slice %arg6[%add3A_300] : memref<13312xi32, #tpu.memory_space<vmem>> -> memref<16xi32, #tpu.memory_space<vmem>>
      %dma_wait3A_543 = arith.constant 0 : i32
      %dma_wait3A_544 = arith.constant 0 : i32
      %dma_wait3A_545 = tpu.memref_slice %arg2[%dma_wait3A_543, %dma_wait3A_544] : memref<851968x128xf32, #tpu.memory_space<hbm>> -> memref<851968x128xf32, #tpu.memory_space<hbm>>
      tpu.wait_indirect_dma semaphore(%arg10 : memref<!tpu.dma_semaphore, #tpu.memory_space<semaphore_mem>>) src(%dma_wait3A_545 : memref<851968x128xf32, #tpu.memory_space<hbm>>) dst(%dma_wait3A_541 : memref<16x128xf32, #tpu.memory_space<vmem>>)
      %dma_wait3A_546 = arith.constant 25 : i32
      %dma_wait3A_547 = arith.constant 0 : i32
      %dma_wait3A_548 = arith.constant 0 : i32
      %dma_wait3A_549 = tpu.memref_slice %arg8[%dma_wait3A_546, %dma_wait3A_547, %dma_wait3A_548] : memref<26x16x128xf32, #tpu.memory_space<vmem>> -> memref<1x16x128xf32, #tpu.memory_space<vmem>>
      %dma_wait3A_550 = tpu.memref_squeeze %dma_wait3A_549 : memref<1x16x128xf32, #tpu.memory_space<vmem>> -> memref<16x128xf32, #tpu.memory_space<vmem>>
      %dma_wait3A_551 = tpu.memref_slice %arg6[%add3A_311] : memref<13312xi32, #tpu.memory_space<vmem>> -> memref<16xi32, #tpu.memory_space<vmem>>
      %dma_wait3A_552 = arith.constant 0 : i32
      %dma_wait3A_553 = arith.constant 0 : i32
      %dma_wait3A_554 = tpu.memref_slice %arg2[%dma_wait3A_552, %dma_wait3A_553] : memref<851968x128xf32, #tpu.memory_space<hbm>> -> memref<851968x128xf32, #tpu.memory_space<hbm>>
      tpu.wait_indirect_dma semaphore(%arg10 : memref<!tpu.dma_semaphore, #tpu.memory_space<semaphore_mem>>) src(%dma_wait3A_554 : memref<851968x128xf32, #tpu.memory_space<hbm>>) dst(%dma_wait3A_550 : memref<16x128xf32, #tpu.memory_space<vmem>>)
      %scan3A_555 = arith.constant 0 : i32
      %scan3A_556 = arith.constant 16 : i32
      %scan3A_557 = arith.addi %scan3A_555, %scan3A_556 : i32
      %scan3A_558 = arith.constant 1 : i32
      scf.for %scan3A_565 = %scan3A_555 to %scan3A_557 step %scan3A_558  : i32 {
        %mul3A_566 = arith.constant 1 : i32
        %mul3A_567 = arith.muli %scan3A_565, %mul3A_566 : i32
        %add3A_568 = arith.constant 0 : i32
        %add3A_569 = arith.addi %add3A_568, %mul3A_567 : i32
        %add3A_570 = arith.addi %multiple_of3A, %add3A_569 : i32
        %mul3A_571 = arith.constant 26 : i32
        %mul3A_572 = arith.muli %add3A_570, %mul3A_571 : i32
        %get3A = arith.index_cast %mul3A_572 : i32 to index
        %get3A_573 = tpu.vector_load %arg7[%get3A] {strides = array<i32>} : memref<13328xi32, #tpu.memory_space<vmem>>, vector<16xi32>,
        %get3A_574 = vector.shape_cast %get3A_573 : vector<16xi32> to vector<16xi32>
        %add3A_575 = arith.constant 16 : i32
        %add3A_576 = arith.addi %mul3A_572, %add3A_575 : i32
        %get3A_577 = arith.index_cast %add3A_576 : i32 to index
        %get3A_578 = tpu.vector_load %arg7[%get3A_577] {strides = array<i32>} : memref<13328xi32, #tpu.memory_space<vmem>>, vector<16xi32>,
        %get3A_579 = vector.shape_cast %get3A_578 : vector<16xi32> to vector<16xi32>
        %slice3A = vector.extract_strided_slice %get3A_574 {offsets = [0], sizes = [1], strides = [1]} : vector<16xi32> to vector<1xi32>
        %squeeze3A = vector.extract %slice3A[0] : i32 from vector<1xi32>
        %slice3A_580 = vector.extract_strided_slice %get3A_574 {offsets = [1], sizes = [1], strides = [1]} : vector<16xi32> to vector<1xi32>
        %squeeze3A_581 = vector.extract %slice3A_580[0] : i32 from vector<1xi32>
        %slice3A_582 = vector.extract_strided_slice %get3A_574 {offsets = [2], sizes = [1], strides = [1]} : vector<16xi32> to vector<1xi32>
        %squeeze3A_583 = vector.extract %slice3A_582[0] : i32 from vector<1xi32>
        %slice3A_584 = vector.extract_strided_slice %get3A_574 {offsets = [3], sizes = [1], strides = [1]} : vector<16xi32> to vector<1xi32>
        %squeeze3A_585 = vector.extract %slice3A_584[0] : i32 from vector<1xi32>
        %slice3A_586 = vector.extract_strided_slice %get3A_574 {offsets = [4], sizes = [1], strides = [1]} : vector<16xi32> to vector<1xi32>
        %squeeze3A_587 = vector.extract %slice3A_586[0] : i32 from vector<1xi32>
        %slice3A_588 = vector.extract_strided_slice %get3A_574 {offsets = [5], sizes = [1], strides = [1]} : vector<16xi32> to vector<1xi32>
        %squeeze3A_589 = vector.extract %slice3A_588[0] : i32 from vector<1xi32>
        %slice3A_590 = vector.extract_strided_slice %get3A_574 {offsets = [6], sizes = [1], strides = [1]} : vector<16xi32> to vector<1xi32>
        %squeeze3A_591 = vector.extract %slice3A_590[0] : i32 from vector<1xi32>
        %slice3A_592 = vector.extract_strided_slice %get3A_574 {offsets = [7], sizes = [1], strides = [1]} : vector<16xi32> to vector<1xi32>
        %squeeze3A_593 = vector.extract %slice3A_592[0] : i32 from vector<1xi32>
        %slice3A_594 = vector.extract_strided_slice %get3A_574 {offsets = [8], sizes = [1], strides = [1]} : vector<16xi32> to vector<1xi32>
        %squeeze3A_595 = vector.extract %slice3A_594[0] : i32 from vector<1xi32>
        %slice3A_596 = vector.extract_strided_slice %get3A_574 {offsets = [9], sizes = [1], strides = [1]} : vector<16xi32> to vector<1xi32>
        %squeeze3A_597 = vector.extract %slice3A_596[0] : i32 from vector<1xi32>
        %slice3A_598 = vector.extract_strided_slice %get3A_574 {offsets = [10], sizes = [1], strides = [1]} : vector<16xi32> to vector<1xi32>
        %squeeze3A_599 = vector.extract %slice3A_598[0] : i32 from vector<1xi32>
        %slice3A_600 = vector.extract_strided_slice %get3A_574 {offsets = [11], sizes = [1], strides = [1]} : vector<16xi32> to vector<1xi32>
        %squeeze3A_601 = vector.extract %slice3A_600[0] : i32 from vector<1xi32>
        %slice3A_602 = vector.extract_strided_slice %get3A_574 {offsets = [12], sizes = [1], strides = [1]} : vector<16xi32> to vector<1xi32>
        %squeeze3A_603 = vector.extract %slice3A_602[0] : i32 from vector<1xi32>
        %slice3A_604 = vector.extract_strided_slice %get3A_574 {offsets = [13], sizes = [1], strides = [1]} : vector<16xi32> to vector<1xi32>
        %squeeze3A_605 = vector.extract %slice3A_604[0] : i32 from vector<1xi32>
        %slice3A_606 = vector.extract_strided_slice %get3A_574 {offsets = [14], sizes = [1], strides = [1]} : vector<16xi32> to vector<1xi32>
        %squeeze3A_607 = vector.extract %slice3A_606[0] : i32 from vector<1xi32>
        %slice3A_608 = vector.extract_strided_slice %get3A_574 {offsets = [15], sizes = [1], strides = [1]} : vector<16xi32> to vector<1xi32>
        %squeeze3A_609 = vector.extract %slice3A_608[0] : i32 from vector<1xi32>
        %slice3A_610 = vector.extract_strided_slice %get3A_579 {offsets = [0], sizes = [1], strides = [1]} : vector<16xi32> to vector<1xi32>
        %squeeze3A_611 = vector.extract %slice3A_610[0] : i32 from vector<1xi32>
        %slice3A_612 = vector.extract_strided_slice %get3A_579 {offsets = [1], sizes = [1], strides = [1]} : vector<16xi32> to vector<1xi32>
        %squeeze3A_613 = vector.extract %slice3A_612[0] : i32 from vector<1xi32>
        %slice3A_614 = vector.extract_strided_slice %get3A_579 {offsets = [2], sizes = [1], strides = [1]} : vector<16xi32> to vector<1xi32>
        %squeeze3A_615 = vector.extract %slice3A_614[0] : i32 from vector<1xi32>
        %slice3A_616 = vector.extract_strided_slice %get3A_579 {offsets = [3], sizes = [1], strides = [1]} : vector<16xi32> to vector<1xi32>
        %squeeze3A_617 = vector.extract %slice3A_616[0] : i32 from vector<1xi32>
        %slice3A_618 = vector.extract_strided_slice %get3A_579 {offsets = [4], sizes = [1], strides = [1]} : vector<16xi32> to vector<1xi32>
        %squeeze3A_619 = vector.extract %slice3A_618[0] : i32 from vector<1xi32>
        %slice3A_620 = vector.extract_strided_slice %get3A_579 {offsets = [5], sizes = [1], strides = [1]} : vector<16xi32> to vector<1xi32>
        %squeeze3A_621 = vector.extract %slice3A_620[0] : i32 from vector<1xi32>
        %slice3A_622 = vector.extract_strided_slice %get3A_579 {offsets = [6], sizes = [1], strides = [1]} : vector<16xi32> to vector<1xi32>
        %squeeze3A_623 = vector.extract %slice3A_622[0] : i32 from vector<1xi32>
        %slice3A_624 = vector.extract_strided_slice %get3A_579 {offsets = [7], sizes = [1], strides = [1]} : vector<16xi32> to vector<1xi32>
        %squeeze3A_625 = vector.extract %slice3A_624[0] : i32 from vector<1xi32>
        %slice3A_626 = vector.extract_strided_slice %get3A_579 {offsets = [8], sizes = [1], strides = [1]} : vector<16xi32> to vector<1xi32>
        %squeeze3A_627 = vector.extract %slice3A_626[0] : i32 from vector<1xi32>
        %slice3A_628 = vector.extract_strided_slice %get3A_579 {offsets = [9], sizes = [1], strides = [1]} : vector<16xi32> to vector<1xi32>
        %squeeze3A_629 = vector.extract %slice3A_628[0] : i32 from vector<1xi32>
        %add3A_630 = arith.constant 0 : i32
        %add3A_631 = arith.addi %squeeze3A, %add3A_630 : i32
        %get3A_632 = arith.constant 0 : i32
        %get3A_633 = arith.index_cast %get3A_632 : i32 to index
        %get3A_634 = arith.index_cast %add3A_569 : i32 to index
        %get3A_635 = arith.index_cast %add3A_631 : i32 to index
        %get3A_636 = tpu.vector_load %arg8[%get3A_633, %get3A_634, %get3A_635] {strides = array<i32>} : memref<26x16x128xf32, #tpu.memory_space<vmem>>, vector<1x1x16xf32>,
        %get3A_637 = vector.shape_cast %get3A_636 : vector<1x1x16xf32> to vector<16xf32>
        %add3A_638 = arith.constant 0 : i32
        %add3A_639 = arith.addi %squeeze3A_581, %add3A_638 : i32
        %get3A_640 = arith.constant 1 : i32
        %get3A_641 = arith.index_cast %get3A_640 : i32 to index
        %get3A_642 = arith.index_cast %add3A_569 : i32 to index
        %get3A_643 = arith.index_cast %add3A_639 : i32 to index
        %get3A_644 = tpu.vector_load %arg8[%get3A_641, %get3A_642, %get3A_643] {strides = array<i32>} : memref<26x16x128xf32, #tpu.memory_space<vmem>>, vector<1x1x16xf32>,
        %get3A_645 = vector.shape_cast %get3A_644 : vector<1x1x16xf32> to vector<16xf32>
        %add3A_646 = arith.addf %get3A_637, %get3A_645 : vector<16xf32>
        %add3A_647 = arith.constant 0 : i32
        %add3A_648 = arith.addi %squeeze3A_583, %add3A_647 : i32
        %get3A_649 = arith.constant 2 : i32
        %get3A_650 = arith.index_cast %get3A_649 : i32 to index
        %get3A_651 = arith.index_cast %add3A_569 : i32 to index
        %get3A_652 = arith.index_cast %add3A_648 : i32 to index
        %get3A_653 = tpu.vector_load %arg8[%get3A_650, %get3A_651, %get3A_652] {strides = array<i32>} : memref<26x16x128xf32, #tpu.memory_space<vmem>>, vector<1x1x16xf32>,
        %get3A_654 = vector.shape_cast %get3A_653 : vector<1x1x16xf32> to vector<16xf32>
        %add3A_655 = arith.addf %add3A_646, %get3A_654 : vector<16xf32>
        %add3A_656 = arith.constant 0 : i32
        %add3A_657 = arith.addi %squeeze3A_585, %add3A_656 : i32
        %get3A_658 = arith.constant 3 : i32
        %get3A_659 = arith.index_cast %get3A_658 : i32 to index
        %get3A_660 = arith.index_cast %add3A_569 : i32 to index
        %get3A_661 = arith.index_cast %add3A_657 : i32 to index
        %get3A_662 = tpu.vector_load %arg8[%get3A_659, %get3A_660, %get3A_661] {strides = array<i32>} : memref<26x16x128xf32, #tpu.memory_space<vmem>>, vector<1x1x16xf32>,
        %get3A_663 = vector.shape_cast %get3A_662 : vector<1x1x16xf32> to vector<16xf32>
        %add3A_664 = arith.addf %add3A_655, %get3A_663 : vector<16xf32>
        %add3A_665 = arith.constant 0 : i32
        %add3A_666 = arith.addi %squeeze3A_587, %add3A_665 : i32
        %get3A_667 = arith.constant 4 : i32
        %get3A_668 = arith.index_cast %get3A_667 : i32 to index
        %get3A_669 = arith.index_cast %add3A_569 : i32 to index
        %get3A_670 = arith.index_cast %add3A_666 : i32 to index
        %get3A_671 = tpu.vector_load %arg8[%get3A_668, %get3A_669, %get3A_670] {strides = array<i32>} : memref<26x16x128xf32, #tpu.memory_space<vmem>>, vector<1x1x16xf32>,
        %get3A_672 = vector.shape_cast %get3A_671 : vector<1x1x16xf32> to vector<16xf32>
        %add3A_673 = arith.addf %add3A_664, %get3A_672 : vector<16xf32>
        %add3A_674 = arith.constant 0 : i32
        %add3A_675 = arith.addi %squeeze3A_589, %add3A_674 : i32
        %get3A_676 = arith.constant 5 : i32
        %get3A_677 = arith.index_cast %get3A_676 : i32 to index
        %get3A_678 = arith.index_cast %add3A_569 : i32 to index
        %get3A_679 = arith.index_cast %add3A_675 : i32 to index
        %get3A_680 = tpu.vector_load %arg8[%get3A_677, %get3A_678, %get3A_679] {strides = array<i32>} : memref<26x16x128xf32, #tpu.memory_space<vmem>>, vector<1x1x16xf32>,
        %get3A_681 = vector.shape_cast %get3A_680 : vector<1x1x16xf32> to vector<16xf32>
        %add3A_682 = arith.addf %add3A_673, %get3A_681 : vector<16xf32>
        %add3A_683 = arith.constant 0 : i32
        %add3A_684 = arith.addi %squeeze3A_591, %add3A_683 : i32
        %get3A_685 = arith.constant 6 : i32
        %get3A_686 = arith.index_cast %get3A_685 : i32 to index
        %get3A_687 = arith.index_cast %add3A_569 : i32 to index
        %get3A_688 = arith.index_cast %add3A_684 : i32 to index
        %get3A_689 = tpu.vector_load %arg8[%get3A_686, %get3A_687, %get3A_688] {strides = array<i32>} : memref<26x16x128xf32, #tpu.memory_space<vmem>>, vector<1x1x16xf32>,
        %get3A_690 = vector.shape_cast %get3A_689 : vector<1x1x16xf32> to vector<16xf32>
        %add3A_691 = arith.addf %add3A_682, %get3A_690 : vector<16xf32>
        %add3A_692 = arith.constant 0 : i32
        %add3A_693 = arith.addi %squeeze3A_593, %add3A_692 : i32
        %get3A_694 = arith.constant 7 : i32
        %get3A_695 = arith.index_cast %get3A_694 : i32 to index
        %get3A_696 = arith.index_cast %add3A_569 : i32 to index
        %get3A_697 = arith.index_cast %add3A_693 : i32 to index
        %get3A_698 = tpu.vector_load %arg8[%get3A_695, %get3A_696, %get3A_697] {strides = array<i32>} : memref<26x16x128xf32, #tpu.memory_space<vmem>>, vector<1x1x16xf32>,
        %get3A_699 = vector.shape_cast %get3A_698 : vector<1x1x16xf32> to vector<16xf32>
        %add3A_700 = arith.addf %add3A_691, %get3A_699 : vector<16xf32>
        %add3A_701 = arith.constant 0 : i32
        %add3A_702 = arith.addi %squeeze3A_595, %add3A_701 : i32
        %get3A_703 = arith.constant 8 : i32
        %get3A_704 = arith.index_cast %get3A_703 : i32 to index
        %get3A_705 = arith.index_cast %add3A_569 : i32 to index
        %get3A_706 = arith.index_cast %add3A_702 : i32 to index
        %get3A_707 = tpu.vector_load %arg8[%get3A_704, %get3A_705, %get3A_706] {strides = array<i32>} : memref<26x16x128xf32, #tpu.memory_space<vmem>>, vector<1x1x16xf32>,
        %get3A_708 = vector.shape_cast %get3A_707 : vector<1x1x16xf32> to vector<16xf32>
        %add3A_709 = arith.addf %add3A_700, %get3A_708 : vector<16xf32>
        %add3A_710 = arith.constant 0 : i32
        %add3A_711 = arith.addi %squeeze3A_597, %add3A_710 : i32
        %get3A_712 = arith.constant 9 : i32
        %get3A_713 = arith.index_cast %get3A_712 : i32 to index
        %get3A_714 = arith.index_cast %add3A_569 : i32 to index
        %get3A_715 = arith.index_cast %add3A_711 : i32 to index
        %get3A_716 = tpu.vector_load %arg8[%get3A_713, %get3A_714, %get3A_715] {strides = array<i32>} : memref<26x16x128xf32, #tpu.memory_space<vmem>>, vector<1x1x16xf32>,
        %get3A_717 = vector.shape_cast %get3A_716 : vector<1x1x16xf32> to vector<16xf32>
        %add3A_718 = arith.addf %add3A_709, %get3A_717 : vector<16xf32>
        %add3A_719 = arith.constant 0 : i32
        %add3A_720 = arith.addi %squeeze3A_599, %add3A_719 : i32
        %get3A_721 = arith.constant 10 : i32
        %get3A_722 = arith.index_cast %get3A_721 : i32 to index
        %get3A_723 = arith.index_cast %add3A_569 : i32 to index
        %get3A_724 = arith.index_cast %add3A_720 : i32 to index
        %get3A_725 = tpu.vector_load %arg8[%get3A_722, %get3A_723, %get3A_724] {strides = array<i32>} : memref<26x16x128xf32, #tpu.memory_space<vmem>>, vector<1x1x16xf32>,
        %get3A_726 = vector.shape_cast %get3A_725 : vector<1x1x16xf32> to vector<16xf32>
        %add3A_727 = arith.addf %add3A_718, %get3A_726 : vector<16xf32>
        %add3A_728 = arith.constant 0 : i32
        %add3A_729 = arith.addi %squeeze3A_601, %add3A_728 : i32
        %get3A_730 = arith.constant 11 : i32
        %get3A_731 = arith.index_cast %get3A_730 : i32 to index
        %get3A_732 = arith.index_cast %add3A_569 : i32 to index
        %get3A_733 = arith.index_cast %add3A_729 : i32 to index
        %get3A_734 = tpu.vector_load %arg8[%get3A_731, %get3A_732, %get3A_733] {strides = array<i32>} : memref<26x16x128xf32, #tpu.memory_space<vmem>>, vector<1x1x16xf32>,
        %get3A_735 = vector.shape_cast %get3A_734 : vector<1x1x16xf32> to vector<16xf32>
        %add3A_736 = arith.addf %add3A_727, %get3A_735 : vector<16xf32>
        %add3A_737 = arith.constant 0 : i32
        %add3A_738 = arith.addi %squeeze3A_603, %add3A_737 : i32
        %get3A_739 = arith.constant 12 : i32
        %get3A_740 = arith.index_cast %get3A_739 : i32 to index
        %get3A_741 = arith.index_cast %add3A_569 : i32 to index
        %get3A_742 = arith.index_cast %add3A_738 : i32 to index
        %get3A_743 = tpu.vector_load %arg8[%get3A_740, %get3A_741, %get3A_742] {strides = array<i32>} : memref<26x16x128xf32, #tpu.memory_space<vmem>>, vector<1x1x16xf32>,
        %get3A_744 = vector.shape_cast %get3A_743 : vector<1x1x16xf32> to vector<16xf32>
        %add3A_745 = arith.addf %add3A_736, %get3A_744 : vector<16xf32>
        %add3A_746 = arith.constant 0 : i32
        %add3A_747 = arith.addi %squeeze3A_605, %add3A_746 : i32
        %get3A_748 = arith.constant 13 : i32
        %get3A_749 = arith.index_cast %get3A_748 : i32 to index
        %get3A_750 = arith.index_cast %add3A_569 : i32 to index
        %get3A_751 = arith.index_cast %add3A_747 : i32 to index
        %get3A_752 = tpu.vector_load %arg8[%get3A_749, %get3A_750, %get3A_751] {strides = array<i32>} : memref<26x16x128xf32, #tpu.memory_space<vmem>>, vector<1x1x16xf32>,
        %get3A_753 = vector.shape_cast %get3A_752 : vector<1x1x16xf32> to vector<16xf32>
        %add3A_754 = arith.addf %add3A_745, %get3A_753 : vector<16xf32>
        %add3A_755 = arith.constant 0 : i32
        %add3A_756 = arith.addi %squeeze3A_607, %add3A_755 : i32
        %get3A_757 = arith.constant 14 : i32
        %get3A_758 = arith.index_cast %get3A_757 : i32 to index
        %get3A_759 = arith.index_cast %add3A_569 : i32 to index
        %get3A_760 = arith.index_cast %add3A_756 : i32 to index
        %get3A_761 = tpu.vector_load %arg8[%get3A_758, %get3A_759, %get3A_760] {strides = array<i32>} : memref<26x16x128xf32, #tpu.memory_space<vmem>>, vector<1x1x16xf32>,
        %get3A_762 = vector.shape_cast %get3A_761 : vector<1x1x16xf32> to vector<16xf32>
        %add3A_763 = arith.addf %add3A_754, %get3A_762 : vector<16xf32>
        %add3A_764 = arith.constant 0 : i32
        %add3A_765 = arith.addi %squeeze3A_609, %add3A_764 : i32
        %get3A_766 = arith.constant 15 : i32
        %get3A_767 = arith.index_cast %get3A_766 : i32 to index
        %get3A_768 = arith.index_cast %add3A_569 : i32 to index
        %get3A_769 = arith.index_cast %add3A_765 : i32 to index
        %get3A_770 = tpu.vector_load %arg8[%get3A_767, %get3A_768, %get3A_769] {strides = array<i32>} : memref<26x16x128xf32, #tpu.memory_space<vmem>>, vector<1x1x16xf32>,
        %get3A_771 = vector.shape_cast %get3A_770 : vector<1x1x16xf32> to vector<16xf32>
        %add3A_772 = arith.addf %add3A_763, %get3A_771 : vector<16xf32>
        %add3A_773 = arith.constant 0 : i32
        %add3A_774 = arith.addi %squeeze3A_611, %add3A_773 : i32
        %get3A_775 = arith.constant 16 : i32
        %get3A_776 = arith.index_cast %get3A_775 : i32 to index
        %get3A_777 = arith.index_cast %add3A_569 : i32 to index
        %get3A_778 = arith.index_cast %add3A_774 : i32 to index
        %get3A_779 = tpu.vector_load %arg8[%get3A_776, %get3A_777, %get3A_778] {strides = array<i32>} : memref<26x16x128xf32, #tpu.memory_space<vmem>>, vector<1x1x16xf32>,
        %get3A_780 = vector.shape_cast %get3A_779 : vector<1x1x16xf32> to vector<16xf32>
        %add3A_781 = arith.addf %add3A_772, %get3A_780 : vector<16xf32>
        %add3A_782 = arith.constant 0 : i32
        %add3A_783 = arith.addi %squeeze3A_613, %add3A_782 : i32
        %get3A_784 = arith.constant 17 : i32
        %get3A_785 = arith.index_cast %get3A_784 : i32 to index
        %get3A_786 = arith.index_cast %add3A_569 : i32 to index
        %get3A_787 = arith.index_cast %add3A_783 : i32 to index
        %get3A_788 = tpu.vector_load %arg8[%get3A_785, %get3A_786, %get3A_787] {strides = array<i32>} : memref<26x16x128xf32, #tpu.memory_space<vmem>>, vector<1x1x16xf32>,
        %get3A_789 = vector.shape_cast %get3A_788 : vector<1x1x16xf32> to vector<16xf32>
        %add3A_790 = arith.addf %add3A_781, %get3A_789 : vector<16xf32>
        %add3A_791 = arith.constant 0 : i32
        %add3A_792 = arith.addi %squeeze3A_615, %add3A_791 : i32
        %get3A_793 = arith.constant 18 : i32
        %get3A_794 = arith.index_cast %get3A_793 : i32 to index
        %get3A_795 = arith.index_cast %add3A_569 : i32 to index
        %get3A_796 = arith.index_cast %add3A_792 : i32 to index
        %get3A_797 = tpu.vector_load %arg8[%get3A_794, %get3A_795, %get3A_796] {strides = array<i32>} : memref<26x16x128xf32, #tpu.memory_space<vmem>>, vector<1x1x16xf32>,
        %get3A_798 = vector.shape_cast %get3A_797 : vector<1x1x16xf32> to vector<16xf32>
        %add3A_799 = arith.addf %add3A_790, %get3A_798 : vector<16xf32>
        %add3A_800 = arith.constant 0 : i32
        %add3A_801 = arith.addi %squeeze3A_617, %add3A_800 : i32
        %get3A_802 = arith.constant 19 : i32
        %get3A_803 = arith.index_cast %get3A_802 : i32 to index
        %get3A_804 = arith.index_cast %add3A_569 : i32 to index
        %get3A_805 = arith.index_cast %add3A_801 : i32 to index
        %get3A_806 = tpu.vector_load %arg8[%get3A_803, %get3A_804, %get3A_805] {strides = array<i32>} : memref<26x16x128xf32, #tpu.memory_space<vmem>>, vector<1x1x16xf32>,
        %get3A_807 = vector.shape_cast %get3A_806 : vector<1x1x16xf32> to vector<16xf32>
        %add3A_808 = arith.addf %add3A_799, %get3A_807 : vector<16xf32>
        %add3A_809 = arith.constant 0 : i32
        %add3A_810 = arith.addi %squeeze3A_619, %add3A_809 : i32
        %get3A_811 = arith.constant 20 : i32
        %get3A_812 = arith.index_cast %get3A_811 : i32 to index
        %get3A_813 = arith.index_cast %add3A_569 : i32 to index
        %get3A_814 = arith.index_cast %add3A_810 : i32 to index
        %get3A_815 = tpu.vector_load %arg8[%get3A_812, %get3A_813, %get3A_814] {strides = array<i32>} : memref<26x16x128xf32, #tpu.memory_space<vmem>>, vector<1x1x16xf32>,
        %get3A_816 = vector.shape_cast %get3A_815 : vector<1x1x16xf32> to vector<16xf32>
        %add3A_817 = arith.addf %add3A_808, %get3A_816 : vector<16xf32>
        %add3A_818 = arith.constant 0 : i32
        %add3A_819 = arith.addi %squeeze3A_621, %add3A_818 : i32
        %get3A_820 = arith.constant 21 : i32
        %get3A_821 = arith.index_cast %get3A_820 : i32 to index
        %get3A_822 = arith.index_cast %add3A_569 : i32 to index
        %get3A_823 = arith.index_cast %add3A_819 : i32 to index
        %get3A_824 = tpu.vector_load %arg8[%get3A_821, %get3A_822, %get3A_823] {strides = array<i32>} : memref<26x16x128xf32, #tpu.memory_space<vmem>>, vector<1x1x16xf32>,
        %get3A_825 = vector.shape_cast %get3A_824 : vector<1x1x16xf32> to vector<16xf32>
        %add3A_826 = arith.addf %add3A_817, %get3A_825 : vector<16xf32>
        %add3A_827 = arith.constant 0 : i32
        %add3A_828 = arith.addi %squeeze3A_623, %add3A_827 : i32
        %get3A_829 = arith.constant 22 : i32
        %get3A_830 = arith.index_cast %get3A_829 : i32 to index
        %get3A_831 = arith.index_cast %add3A_569 : i32 to index
        %get3A_832 = arith.index_cast %add3A_828 : i32 to index
        %get3A_833 = tpu.vector_load %arg8[%get3A_830, %get3A_831, %get3A_832] {strides = array<i32>} : memref<26x16x128xf32, #tpu.memory_space<vmem>>, vector<1x1x16xf32>,
        %get3A_834 = vector.shape_cast %get3A_833 : vector<1x1x16xf32> to vector<16xf32>
        %add3A_835 = arith.addf %add3A_826, %get3A_834 : vector<16xf32>
        %add3A_836 = arith.constant 0 : i32
        %add3A_837 = arith.addi %squeeze3A_625, %add3A_836 : i32
        %get3A_838 = arith.constant 23 : i32
        %get3A_839 = arith.index_cast %get3A_838 : i32 to index
        %get3A_840 = arith.index_cast %add3A_569 : i32 to index
        %get3A_841 = arith.index_cast %add3A_837 : i32 to index
        %get3A_842 = tpu.vector_load %arg8[%get3A_839, %get3A_840, %get3A_841] {strides = array<i32>} : memref<26x16x128xf32, #tpu.memory_space<vmem>>, vector<1x1x16xf32>,
        %get3A_843 = vector.shape_cast %get3A_842 : vector<1x1x16xf32> to vector<16xf32>
        %add3A_844 = arith.addf %add3A_835, %get3A_843 : vector<16xf32>
        %add3A_845 = arith.constant 0 : i32
        %add3A_846 = arith.addi %squeeze3A_627, %add3A_845 : i32
        %get3A_847 = arith.constant 24 : i32
        %get3A_848 = arith.index_cast %get3A_847 : i32 to index
        %get3A_849 = arith.index_cast %add3A_569 : i32 to index
        %get3A_850 = arith.index_cast %add3A_846 : i32 to index
        %get3A_851 = tpu.vector_load %arg8[%get3A_848, %get3A_849, %get3A_850] {strides = array<i32>} : memref<26x16x128xf32, #tpu.memory_space<vmem>>, vector<1x1x16xf32>,
        %get3A_852 = vector.shape_cast %get3A_851 : vector<1x1x16xf32> to vector<16xf32>
        %add3A_853 = arith.addf %add3A_844, %get3A_852 : vector<16xf32>
        %add3A_854 = arith.constant 0 : i32
        %add3A_855 = arith.addi %squeeze3A_629, %add3A_854 : i32
        %get3A_856 = arith.constant 25 : i32
        %get3A_857 = arith.index_cast %get3A_856 : i32 to index
        %get3A_858 = arith.index_cast %add3A_569 : i32 to index
        %get3A_859 = arith.index_cast %add3A_855 : i32 to index
        %get3A_860 = tpu.vector_load %arg8[%get3A_857, %get3A_858, %get3A_859] {strides = array<i32>} : memref<26x16x128xf32, #tpu.memory_space<vmem>>, vector<1x1x16xf32>,
        %get3A_861 = vector.shape_cast %get3A_860 : vector<1x1x16xf32> to vector<16xf32>
        %add3A_862 = arith.addf %add3A_853, %get3A_861 : vector<16xf32>
        %mul3A_863 = arith.constant 32 : i32
        %mul3A_864 = arith.muli %add3A_569, %mul3A_863 : i32
        %add3A_865 = arith.constant 0 : i32
        %add3A_866 = arith.addi %mul3A_864, %add3A_865 : i32
        %swap3A = arith.index_cast %add3A_866 : i32 to index
        %swap3A_867 = tpu.vector_load %arg9[%swap3A] {strides = array<i32>} : memref<512xf32, #tpu.memory_space<vmem>>, vector<16xf32>,
        %swap3A_868 = vector.shape_cast %swap3A_867 : vector<16xf32> to vector<16xf32>
        %swap3A_869 = vector.shape_cast %add3A_862 : vector<16xf32> to vector<16xf32>
        tpu.vector_store %arg9[%swap3A], %swap3A_869 {strides = array<i32>} : memref<512xf32, #tpu.memory_space<vmem>>, vector<16xf32>,
        %add3A_870 = arith.constant 16 : i32
        %add3A_871 = arith.addi %squeeze3A, %add3A_870 : i32
        %get3A_872 = arith.constant 0 : i32
        %get3A_873 = arith.index_cast %get3A_872 : i32 to index
        %get3A_874 = arith.index_cast %add3A_569 : i32 to index
        %get3A_875 = arith.index_cast %add3A_871 : i32 to index
        %get3A_876 = tpu.vector_load %arg8[%get3A_873, %get3A_874, %get3A_875] {strides = array<i32>} : memref<26x16x128xf32, #tpu.memory_space<vmem>>, vector<1x1x16xf32>,
        %get3A_877 = vector.shape_cast %get3A_876 : vector<1x1x16xf32> to vector<16xf32>
        %add3A_878 = arith.constant 16 : i32
        %add3A_879 = arith.addi %squeeze3A_581, %add3A_878 : i32
        %get3A_880 = arith.constant 1 : i32
        %get3A_881 = arith.index_cast %get3A_880 : i32 to index
        %get3A_882 = arith.index_cast %add3A_569 : i32 to index
        %get3A_883 = arith.index_cast %add3A_879 : i32 to index
        %get3A_884 = tpu.vector_load %arg8[%get3A_881, %get3A_882, %get3A_883] {strides = array<i32>} : memref<26x16x128xf32, #tpu.memory_space<vmem>>, vector<1x1x16xf32>,
        %get3A_885 = vector.shape_cast %get3A_884 : vector<1x1x16xf32> to vector<16xf32>
        %add3A_886 = arith.addf %get3A_877, %get3A_885 : vector<16xf32>
        %add3A_887 = arith.constant 16 : i32
        %add3A_888 = arith.addi %squeeze3A_583, %add3A_887 : i32
        %get3A_889 = arith.constant 2 : i32
        %get3A_890 = arith.index_cast %get3A_889 : i32 to index
        %get3A_891 = arith.index_cast %add3A_569 : i32 to index
        %get3A_892 = arith.index_cast %add3A_888 : i32 to index
        %get3A_893 = tpu.vector_load %arg8[%get3A_890, %get3A_891, %get3A_892] {strides = array<i32>} : memref<26x16x128xf32, #tpu.memory_space<vmem>>, vector<1x1x16xf32>,
        %get3A_894 = vector.shape_cast %get3A_893 : vector<1x1x16xf32> to vector<16xf32>
        %add3A_895 = arith.addf %add3A_886, %get3A_894 : vector<16xf32>
        %add3A_896 = arith.constant 16 : i32
        %add3A_897 = arith.addi %squeeze3A_585, %add3A_896 : i32
        %get3A_898 = arith.constant 3 : i32
        %get3A_899 = arith.index_cast %get3A_898 : i32 to index
        %get3A_900 = arith.index_cast %add3A_569 : i32 to index
        %get3A_901 = arith.index_cast %add3A_897 : i32 to index
        %get3A_902 = tpu.vector_load %arg8[%get3A_899, %get3A_900, %get3A_901] {strides = array<i32>} : memref<26x16x128xf32, #tpu.memory_space<vmem>>, vector<1x1x16xf32>,
        %get3A_903 = vector.shape_cast %get3A_902 : vector<1x1x16xf32> to vector<16xf32>
        %add3A_904 = arith.addf %add3A_895, %get3A_903 : vector<16xf32>
        %add3A_905 = arith.constant 16 : i32
        %add3A_906 = arith.addi %squeeze3A_587, %add3A_905 : i32
        %get3A_907 = arith.constant 4 : i32
        %get3A_908 = arith.index_cast %get3A_907 : i32 to index
        %get3A_909 = arith.index_cast %add3A_569 : i32 to index
        %get3A_910 = arith.index_cast %add3A_906 : i32 to index
        %get3A_911 = tpu.vector_load %arg8[%get3A_908, %get3A_909, %get3A_910] {strides = array<i32>} : memref<26x16x128xf32, #tpu.memory_space<vmem>>, vector<1x1x16xf32>,
        %get3A_912 = vector.shape_cast %get3A_911 : vector<1x1x16xf32> to vector<16xf32>
        %add3A_913 = arith.addf %add3A_904, %get3A_912 : vector<16xf32>
        %add3A_914 = arith.constant 16 : i32
        %add3A_915 = arith.addi %squeeze3A_589, %add3A_914 : i32
        %get3A_916 = arith.constant 5 : i32
        %get3A_917 = arith.index_cast %get3A_916 : i32 to index
        %get3A_918 = arith.index_cast %add3A_569 : i32 to index
        %get3A_919 = arith.index_cast %add3A_915 : i32 to index
        %get3A_920 = tpu.vector_load %arg8[%get3A_917, %get3A_918, %get3A_919] {strides = array<i32>} : memref<26x16x128xf32, #tpu.memory_space<vmem>>, vector<1x1x16xf32>,
        %get3A_921 = vector.shape_cast %get3A_920 : vector<1x1x16xf32> to vector<16xf32>
        %add3A_922 = arith.addf %add3A_913, %get3A_921 : vector<16xf32>
        %add3A_923 = arith.constant 16 : i32
        %add3A_924 = arith.addi %squeeze3A_591, %add3A_923 : i32
        %get3A_925 = arith.constant 6 : i32
        %get3A_926 = arith.index_cast %get3A_925 : i32 to index
        %get3A_927 = arith.index_cast %add3A_569 : i32 to index
        %get3A_928 = arith.index_cast %add3A_924 : i32 to index
        %get3A_929 = tpu.vector_load %arg8[%get3A_926, %get3A_927, %get3A_928] {strides = array<i32>} : memref<26x16x128xf32, #tpu.memory_space<vmem>>, vector<1x1x16xf32>,
        %get3A_930 = vector.shape_cast %get3A_929 : vector<1x1x16xf32> to vector<16xf32>
        %add3A_931 = arith.addf %add3A_922, %get3A_930 : vector<16xf32>
        %add3A_932 = arith.constant 16 : i32
        %add3A_933 = arith.addi %squeeze3A_593, %add3A_932 : i32
        %get3A_934 = arith.constant 7 : i32
        %get3A_935 = arith.index_cast %get3A_934 : i32 to index
        %get3A_936 = arith.index_cast %add3A_569 : i32 to index
        %get3A_937 = arith.index_cast %add3A_933 : i32 to index
        %get3A_938 = tpu.vector_load %arg8[%get3A_935, %get3A_936, %get3A_937] {strides = array<i32>} : memref<26x16x128xf32, #tpu.memory_space<vmem>>, vector<1x1x16xf32>,
        %get3A_939 = vector.shape_cast %get3A_938 : vector<1x1x16xf32> to vector<16xf32>
        %add3A_940 = arith.addf %add3A_931, %get3A_939 : vector<16xf32>
        %add3A_941 = arith.constant 16 : i32
        %add3A_942 = arith.addi %squeeze3A_595, %add3A_941 : i32
        %get3A_943 = arith.constant 8 : i32
        %get3A_944 = arith.index_cast %get3A_943 : i32 to index
        %get3A_945 = arith.index_cast %add3A_569 : i32 to index
        %get3A_946 = arith.index_cast %add3A_942 : i32 to index
        %get3A_947 = tpu.vector_load %arg8[%get3A_944, %get3A_945, %get3A_946] {strides = array<i32>} : memref<26x16x128xf32, #tpu.memory_space<vmem>>, vector<1x1x16xf32>,
        %get3A_948 = vector.shape_cast %get3A_947 : vector<1x1x16xf32> to vector<16xf32>
        %add3A_949 = arith.addf %add3A_940, %get3A_948 : vector<16xf32>
        %add3A_950 = arith.constant 16 : i32
        %add3A_951 = arith.addi %squeeze3A_597, %add3A_950 : i32
        %get3A_952 = arith.constant 9 : i32
        %get3A_953 = arith.index_cast %get3A_952 : i32 to index
        %get3A_954 = arith.index_cast %add3A_569 : i32 to index
        %get3A_955 = arith.index_cast %add3A_951 : i32 to index
        %get3A_956 = tpu.vector_load %arg8[%get3A_953, %get3A_954, %get3A_955] {strides = array<i32>} : memref<26x16x128xf32, #tpu.memory_space<vmem>>, vector<1x1x16xf32>,
        %get3A_957 = vector.shape_cast %get3A_956 : vector<1x1x16xf32> to vector<16xf32>
        %add3A_958 = arith.addf %add3A_949, %get3A_957 : vector<16xf32>
        %add3A_959 = arith.constant 16 : i32
        %add3A_960 = arith.addi %squeeze3A_599, %add3A_959 : i32
        %get3A_961 = arith.constant 10 : i32
        %get3A_962 = arith.index_cast %get3A_961 : i32 to index
        %get3A_963 = arith.index_cast %add3A_569 : i32 to index
        %get3A_964 = arith.index_cast %add3A_960 : i32 to index
        %get3A_965 = tpu.vector_load %arg8[%get3A_962, %get3A_963, %get3A_964] {strides = array<i32>} : memref<26x16x128xf32, #tpu.memory_space<vmem>>, vector<1x1x16xf32>,
        %get3A_966 = vector.shape_cast %get3A_965 : vector<1x1x16xf32> to vector<16xf32>
        %add3A_967 = arith.addf %add3A_958, %get3A_966 : vector<16xf32>
        %add3A_968 = arith.constant 16 : i32
        %add3A_969 = arith.addi %squeeze3A_601, %add3A_968 : i32
        %get3A_970 = arith.constant 11 : i32
        %get3A_971 = arith.index_cast %get3A_970 : i32 to index
        %get3A_972 = arith.index_cast %add3A_569 : i32 to index
        %get3A_973 = arith.index_cast %add3A_969 : i32 to index
        %get3A_974 = tpu.vector_load %arg8[%get3A_971, %get3A_972, %get3A_973] {strides = array<i32>} : memref<26x16x128xf32, #tpu.memory_space<vmem>>, vector<1x1x16xf32>,
        %get3A_975 = vector.shape_cast %get3A_974 : vector<1x1x16xf32> to vector<16xf32>
        %add3A_976 = arith.addf %add3A_967, %get3A_975 : vector<16xf32>
        %add3A_977 = arith.constant 16 : i32
        %add3A_978 = arith.addi %squeeze3A_603, %add3A_977 : i32
        %get3A_979 = arith.constant 12 : i32
        %get3A_980 = arith.index_cast %get3A_979 : i32 to index
        %get3A_981 = arith.index_cast %add3A_569 : i32 to index
        %get3A_982 = arith.index_cast %add3A_978 : i32 to index
        %get3A_983 = tpu.vector_load %arg8[%get3A_980, %get3A_981, %get3A_982] {strides = array<i32>} : memref<26x16x128xf32, #tpu.memory_space<vmem>>, vector<1x1x16xf32>,
        %get3A_984 = vector.shape_cast %get3A_983 : vector<1x1x16xf32> to vector<16xf32>
        %add3A_985 = arith.addf %add3A_976, %get3A_984 : vector<16xf32>
        %add3A_986 = arith.constant 16 : i32
        %add3A_987 = arith.addi %squeeze3A_605, %add3A_986 : i32
        %get3A_988 = arith.constant 13 : i32
        %get3A_989 = arith.index_cast %get3A_988 : i32 to index
        %get3A_990 = arith.index_cast %add3A_569 : i32 to index
        %get3A_991 = arith.index_cast %add3A_987 : i32 to index
        %get3A_992 = tpu.vector_load %arg8[%get3A_989, %get3A_990, %get3A_991] {strides = array<i32>} : memref<26x16x128xf32, #tpu.memory_space<vmem>>, vector<1x1x16xf32>,
        %get3A_993 = vector.shape_cast %get3A_992 : vector<1x1x16xf32> to vector<16xf32>
        %add3A_994 = arith.addf %add3A_985, %get3A_993 : vector<16xf32>
        %add3A_995 = arith.constant 16 : i32
        %add3A_996 = arith.addi %squeeze3A_607, %add3A_995 : i32
        %get3A_997 = arith.constant 14 : i32
        %get3A_998 = arith.index_cast %get3A_997 : i32 to index
        %get3A_999 = arith.index_cast %add3A_569 : i32 to index
        %get3A_1000 = arith.index_cast %add3A_996 : i32 to index
        %get3A_1001 = tpu.vector_load %arg8[%get3A_998, %get3A_999, %get3A_1000] {strides = array<i32>} : memref<26x16x128xf32, #tpu.memory_space<vmem>>, vector<1x1x16xf32>,
        %get3A_1002 = vector.shape_cast %get3A_1001 : vector<1x1x16xf32> to vector<16xf32>
        %add3A_1003 = arith.addf %add3A_994, %get3A_1002 : vector<16xf32>
        %add3A_1004 = arith.constant 16 : i32
        %add3A_1005 = arith.addi %squeeze3A_609, %add3A_1004 : i32
        %get3A_1006 = arith.constant 15 : i32
        %get3A_1007 = arith.index_cast %get3A_1006 : i32 to index
        %get3A_1008 = arith.index_cast %add3A_569 : i32 to index
        %get3A_1009 = arith.index_cast %add3A_1005 : i32 to index
        %get3A_1010 = tpu.vector_load %arg8[%get3A_1007, %get3A_1008, %get3A_1009] {strides = array<i32>} : memref<26x16x128xf32, #tpu.memory_space<vmem>>, vector<1x1x16xf32>,
        %get3A_1011 = vector.shape_cast %get3A_1010 : vector<1x1x16xf32> to vector<16xf32>
        %add3A_1012 = arith.addf %add3A_1003, %get3A_1011 : vector<16xf32>
        %add3A_1013 = arith.constant 16 : i32
        %add3A_1014 = arith.addi %squeeze3A_611, %add3A_1013 : i32
        %get3A_1015 = arith.constant 16 : i32
        %get3A_1016 = arith.index_cast %get3A_1015 : i32 to index
        %get3A_1017 = arith.index_cast %add3A_569 : i32 to index
        %get3A_1018 = arith.index_cast %add3A_1014 : i32 to index
        %get3A_1019 = tpu.vector_load %arg8[%get3A_1016, %get3A_1017, %get3A_1018] {strides = array<i32>} : memref<26x16x128xf32, #tpu.memory_space<vmem>>, vector<1x1x16xf32>,
        %get3A_1020 = vector.shape_cast %get3A_1019 : vector<1x1x16xf32> to vector<16xf32>
        %add3A_1021 = arith.addf %add3A_1012, %get3A_1020 : vector<16xf32>
        %add3A_1022 = arith.constant 16 : i32
        %add3A_1023 = arith.addi %squeeze3A_613, %add3A_1022 : i32
        %get3A_1024 = arith.constant 17 : i32
        %get3A_1025 = arith.index_cast %get3A_1024 : i32 to index
        %get3A_1026 = arith.index_cast %add3A_569 : i32 to index
        %get3A_1027 = arith.index_cast %add3A_1023 : i32 to index
        %get3A_1028 = tpu.vector_load %arg8[%get3A_1025, %get3A_1026, %get3A_1027] {strides = array<i32>} : memref<26x16x128xf32, #tpu.memory_space<vmem>>, vector<1x1x16xf32>,
        %get3A_1029 = vector.shape_cast %get3A_1028 : vector<1x1x16xf32> to vector<16xf32>
        %add3A_1030 = arith.addf %add3A_1021, %get3A_1029 : vector<16xf32>
        %add3A_1031 = arith.constant 16 : i32
        %add3A_1032 = arith.addi %squeeze3A_615, %add3A_1031 : i32
        %get3A_1033 = arith.constant 18 : i32
        %get3A_1034 = arith.index_cast %get3A_1033 : i32 to index
        %get3A_1035 = arith.index_cast %add3A_569 : i32 to index
        %get3A_1036 = arith.index_cast %add3A_1032 : i32 to index
        %get3A_1037 = tpu.vector_load %arg8[%get3A_1034, %get3A_1035, %get3A_1036] {strides = array<i32>} : memref<26x16x128xf32, #tpu.memory_space<vmem>>, vector<1x1x16xf32>,
        %get3A_1038 = vector.shape_cast %get3A_1037 : vector<1x1x16xf32> to vector<16xf32>
        %add3A_1039 = arith.addf %add3A_1030, %get3A_1038 : vector<16xf32>
        %add3A_1040 = arith.constant 16 : i32
        %add3A_1041 = arith.addi %squeeze3A_617, %add3A_1040 : i32
        %get3A_1042 = arith.constant 19 : i32
        %get3A_1043 = arith.index_cast %get3A_1042 : i32 to index
        %get3A_1044 = arith.index_cast %add3A_569 : i32 to index
        %get3A_1045 = arith.index_cast %add3A_1041 : i32 to index
        %get3A_1046 = tpu.vector_load %arg8[%get3A_1043, %get3A_1044, %get3A_1045] {strides = array<i32>} : memref<26x16x128xf32, #tpu.memory_space<vmem>>, vector<1x1x16xf32>,
        %get3A_1047 = vector.shape_cast %get3A_1046 : vector<1x1x16xf32> to vector<16xf32>
        %add3A_1048 = arith.addf %add3A_1039, %get3A_1047 : vector<16xf32>
        %add3A_1049 = arith.constant 16 : i32
        %add3A_1050 = arith.addi %squeeze3A_619, %add3A_1049 : i32
        %get3A_1051 = arith.constant 20 : i32
        %get3A_1052 = arith.index_cast %get3A_1051 : i32 to index
        %get3A_1053 = arith.index_cast %add3A_569 : i32 to index
        %get3A_1054 = arith.index_cast %add3A_1050 : i32 to index
        %get3A_1055 = tpu.vector_load %arg8[%get3A_1052, %get3A_1053, %get3A_1054] {strides = array<i32>} : memref<26x16x128xf32, #tpu.memory_space<vmem>>, vector<1x1x16xf32>,
        %get3A_1056 = vector.shape_cast %get3A_1055 : vector<1x1x16xf32> to vector<16xf32>
        %add3A_1057 = arith.addf %add3A_1048, %get3A_1056 : vector<16xf32>
        %add3A_1058 = arith.constant 16 : i32
        %add3A_1059 = arith.addi %squeeze3A_621, %add3A_1058 : i32
        %get3A_1060 = arith.constant 21 : i32
        %get3A_1061 = arith.index_cast %get3A_1060 : i32 to index
        %get3A_1062 = arith.index_cast %add3A_569 : i32 to index
        %get3A_1063 = arith.index_cast %add3A_1059 : i32 to index
        %get3A_1064 = tpu.vector_load %arg8[%get3A_1061, %get3A_1062, %get3A_1063] {strides = array<i32>} : memref<26x16x128xf32, #tpu.memory_space<vmem>>, vector<1x1x16xf32>,
        %get3A_1065 = vector.shape_cast %get3A_1064 : vector<1x1x16xf32> to vector<16xf32>
        %add3A_1066 = arith.addf %add3A_1057, %get3A_1065 : vector<16xf32>
        %add3A_1067 = arith.constant 16 : i32
        %add3A_1068 = arith.addi %squeeze3A_623, %add3A_1067 : i32
        %get3A_1069 = arith.constant 22 : i32
        %get3A_1070 = arith.index_cast %get3A_1069 : i32 to index
        %get3A_1071 = arith.index_cast %add3A_569 : i32 to index
        %get3A_1072 = arith.index_cast %add3A_1068 : i32 to index
        %get3A_1073 = tpu.vector_load %arg8[%get3A_1070, %get3A_1071, %get3A_1072] {strides = array<i32>} : memref<26x16x128xf32, #tpu.memory_space<vmem>>, vector<1x1x16xf32>,
        %get3A_1074 = vector.shape_cast %get3A_1073 : vector<1x1x16xf32> to vector<16xf32>
        %add3A_1075 = arith.addf %add3A_1066, %get3A_1074 : vector<16xf32>
        %add3A_1076 = arith.constant 16 : i32
        %add3A_1077 = arith.addi %squeeze3A_625, %add3A_1076 : i32
        %get3A_1078 = arith.constant 23 : i32
        %get3A_1079 = arith.index_cast %get3A_1078 : i32 to index
        %get3A_1080 = arith.index_cast %add3A_569 : i32 to index
        %get3A_1081 = arith.index_cast %add3A_1077 : i32 to index
        %get3A_1082 = tpu.vector_load %arg8[%get3A_1079, %get3A_1080, %get3A_1081] {strides = array<i32>} : memref<26x16x128xf32, #tpu.memory_space<vmem>>, vector<1x1x16xf32>,
        %get3A_1083 = vector.shape_cast %get3A_1082 : vector<1x1x16xf32> to vector<16xf32>
        %add3A_1084 = arith.addf %add3A_1075, %get3A_1083 : vector<16xf32>
        %add3A_1085 = arith.constant 16 : i32
        %add3A_1086 = arith.addi %squeeze3A_627, %add3A_1085 : i32
        %get3A_1087 = arith.constant 24 : i32
        %get3A_1088 = arith.index_cast %get3A_1087 : i32 to index
        %get3A_1089 = arith.index_cast %add3A_569 : i32 to index
        %get3A_1090 = arith.index_cast %add3A_1086 : i32 to index
        %get3A_1091 = tpu.vector_load %arg8[%get3A_1088, %get3A_1089, %get3A_1090] {strides = array<i32>} : memref<26x16x128xf32, #tpu.memory_space<vmem>>, vector<1x1x16xf32>,
        %get3A_1092 = vector.shape_cast %get3A_1091 : vector<1x1x16xf32> to vector<16xf32>
        %add3A_1093 = arith.addf %add3A_1084, %get3A_1092 : vector<16xf32>
        %add3A_1094 = arith.constant 16 : i32
        %add3A_1095 = arith.addi %squeeze3A_629, %add3A_1094 : i32
        %get3A_1096 = arith.constant 25 : i32
        %get3A_1097 = arith.index_cast %get3A_1096 : i32 to index
        %get3A_1098 = arith.index_cast %add3A_569 : i32 to index
        %get3A_1099 = arith.index_cast %add3A_1095 : i32 to index
        %get3A_1100 = tpu.vector_load %arg8[%get3A_1097, %get3A_1098, %get3A_1099] {strides = array<i32>} : memref<26x16x128xf32, #tpu.memory_space<vmem>>, vector<1x1x16xf32>,
        %get3A_1101 = vector.shape_cast %get3A_1100 : vector<1x1x16xf32> to vector<16xf32>
        %add3A_1102 = arith.addf %add3A_1093, %get3A_1101 : vector<16xf32>
        %mul3A_1103 = arith.constant 32 : i32
        %mul3A_1104 = arith.muli %add3A_569, %mul3A_1103 : i32
        %add3A_1105 = arith.constant 16 : i32
        %add3A_1106 = arith.addi %mul3A_1104, %add3A_1105 : i32
        %swap3A_1107 = arith.index_cast %add3A_1106 : i32 to index
        %swap3A_1108 = tpu.vector_load %arg9[%swap3A_1107] {strides = array<i32>} : memref<512xf32, #tpu.memory_space<vmem>>, vector<16xf32>,
        %swap3A_1109 = vector.shape_cast %swap3A_1108 : vector<16xf32> to vector<16xf32>
        %swap3A_1110 = vector.shape_cast %add3A_1102 : vector<16xf32> to vector<16xf32>
        tpu.vector_store %arg9[%swap3A_1107], %swap3A_1110 {strides = array<i32>} : memref<512xf32, #tpu.memory_space<vmem>>, vector<16xf32>,
      }
      %scan3A_559 = arith.constant 16 : i32
      %mul3A_560 = arith.constant 16384 : i32
      %mul3A_561 = arith.muli %add3A, %mul3A_560 : i32
      %mul3A_562 = arith.constant 32 : i32
      %mul3A_563 = arith.muli %multiple_of3A, %mul3A_562 : i32
      %add3A_564 = arith.addi %mul3A_561, %mul3A_563 : i32
      "tpu.region"() ({
        %run_scoped3A = tpu.sem_alloc : memref<!tpu.dma_semaphore, #tpu.memory_space<semaphore_mem>>
        %dma_start3A_565 = tpu.memref_slice %arg5[%add3A_564] : memref<524288xf32, #tpu.memory_space<hbm>> -> memref<512xf32, #tpu.memory_space<hbm>>
        %dma_start3A_566 = tpu.memref_slice %arg5[%add3A_564] : memref<524288xf32, #tpu.memory_space<hbm>> -> memref<512xf32, #tpu.memory_space<hbm>>
        tpu.enqueue_dma source(%arg9 : memref<512xf32, #tpu.memory_space<vmem>>) target(%dma_start3A_566 : memref<512xf32, #tpu.memory_space<hbm>>) target_semaphore(%run_scoped3A : memref<!tpu.dma_semaphore, #tpu.memory_space<semaphore_mem>>)
        %dma_wait3A_567 = tpu.memref_slice %arg5[%add3A_564] : memref<524288xf32, #tpu.memory_space<hbm>> -> memref<512xf32, #tpu.memory_space<hbm>>
        %dma_wait3A_568 = tpu.memref_slice %arg5[%add3A_564] : memref<524288xf32, #tpu.memory_space<hbm>> -> memref<512xf32, #tpu.memory_space<hbm>>
        tpu.wait_dma2 semaphore(%run_scoped3A : memref<!tpu.dma_semaphore, #tpu.memory_space<semaphore_mem>>) src(%arg9 : memref<512xf32, #tpu.memory_space<vmem>>) dst(%dma_wait3A_568 : memref<512xf32, #tpu.memory_space<hbm>>)
        tpu.yield
      }) : () -> ()
    }
    %scan3A_27 = arith.constant 32 : i32
    return
  }
}

module attributes {stable_mosaic.version = 14 : i64} {
  func.func @body(%arg0: i32, %arg1: i32, %arg2: memref<1x32x32768xf32, #tpu.memory_space<vmem>>, %arg3: memref<1x8192x128xf32, #tpu.memory_space<vmem>>) attributes {dimension_semantics = [#tpu.dimension_semantics<arbitrary>, #tpu.dimension_semantics<arbitrary>], iteration_bounds = array<i64: 26, 4>, scalar_prefetch = 0 : i64, scratch_operands = 0 : i64, tpu.core_type = #tpu.core_type<tc>, window_params = [{transform_indices = @transform_0, window_bounds = array<i64: 1, 32, 32768>}, {transform_indices = @transform_1, window_bounds = array<i64: 1, 8192, 128>}]} {
    %get3A = arith.constant 0 : index
    %get3A_0 = arith.constant 0 : index
    %get3A_1 = arith.constant 0 : index
    %get3A_2 = vector.load %arg2[%get3A, %get3A_0, %get3A_1] : memref<1x32x32768xf32, #tpu.memory_space<vmem>>, vector<1x32x32768xf32>
    %get3A_3 = vector.shape_cast %get3A_2 : vector<1x32x32768xf32> to vector<32x32768xf32>
    %slice3A = vector.extract_strided_slice %get3A_3 {offsets = [0, 0], sizes = [32, 8192], strides = [1, 1]} : vector<32x32768xf32> to vector<32x8192xf32>
    %slice3A_4 = vector.extract_strided_slice %get3A_3 {offsets = [0, 8192], sizes = [32, 8192], strides = [1, 1]} : vector<32x32768xf32> to vector<32x8192xf32>
    %slice3A_5 = vector.extract_strided_slice %get3A_3 {offsets = [0, 16384], sizes = [32, 8192], strides = [1, 1]} : vector<32x32768xf32> to vector<32x8192xf32>
    %slice3A_6 = vector.extract_strided_slice %get3A_3 {offsets = [0, 24576], sizes = [32, 8192], strides = [1, 1]} : vector<32x32768xf32> to vector<32x8192xf32>
    %concatenate3A = tpu.concatenate %slice3A, %slice3A_4, %slice3A_5, %slice3A_6 in 0 : vector<32x8192xf32>, vector<32x8192xf32>, vector<32x8192xf32>, vector<32x8192xf32> -> vector<128x8192xf32>
    %iota3A = tpu.iota {dimensions = array<i32: 0>} : vector<128x128xi32>
    %iota3A_7 = tpu.iota {dimensions = array<i32: 1>} : vector<128x128xi32>
    %add3A = arith.constant 0 : i32
    %add3A_8 = vector.broadcast %add3A : i32 to vector<128x128xi32>
    %add3A_9 = arith.addi %iota3A, %add3A_8 : vector<128x128xi32>
    %eq3A = arith.cmpi eq, %add3A_9, %iota3A_7 : vector<128x128xi32>
    %convert_element_type3A = arith.extui %eq3A : vector<128x128xi1> to vector<128x128xi32>
    %convert_element_type3A_10 = arith.sitofp %convert_element_type3A : vector<128x128xi32> to vector<128x128xf32>
    %dot_general3A = arith.constant dense<0.000000e+00> : vector<8192x128xf32>
    %dot_general3A_11 = tpu.matmul %concatenate3A, %convert_element_type3A_10, %dot_general3A {dimension_numbers = #tpu.dot_dimension_numbers<[0], [0], [1], [1], [0, 1, 1, 1], [], []>, transpose_lhs_hint = false} : vector<128x8192xf32>, vector<128x128xf32>, vector<8192x128xf32> -> vector<8192x128xf32>
    %swap3A = arith.constant 0 : index
    %swap3A_12 = arith.constant 0 : index
    %swap3A_13 = arith.constant 0 : index
    %swap3A_14 = vector.load %arg3[%swap3A, %swap3A_12, %swap3A_13] : memref<1x8192x128xf32, #tpu.memory_space<vmem>>, vector<1x8192x128xf32>
    %swap3A_15 = vector.shape_cast %swap3A_14 : vector<1x8192x128xf32> to vector<8192x128xf32>
    %swap3A_16 = vector.shape_cast %dot_general3A_11 : vector<8192x128xf32> to vector<1x8192x128xf32>
    tpu.vector_store %arg3[%swap3A, %swap3A_12, %swap3A_13], %swap3A_16 {strides = array<i32>} : memref<1x8192x128xf32, #tpu.memory_space<vmem>>, vector<1x8192x128xf32>,
    return
  }
  func.func @transform_0(%arg0: i32, %arg1: i32) -> (i32, i32, i32) {
    %c0_i32 = arith.constant 0 : i32
    %c0_i32_0 = arith.constant 0 : i32
    return %arg0, %c0_i32, %arg1 : i32, i32, i32
  }
  func.func @transform_1(%arg0: i32, %arg1: i32) -> (i32, i32, i32) {
    %c0_i32 = arith.constant 0 : i32
    %c0_i32_0 = arith.constant 0 : i32
    return %arg0, %arg1, %c0_i32 : i32, i32, i32
  }
}

</mosaic_0001>

<sc_bundles>
// kernel: kernel.4.cloned.1.call-start
scs
__scs_entry_jumppad:
0x0: {  	(pc) =	sbr.rel $0x88, $3  }
0x1: {  	(tag) =	ssettag $0x0;
	lr =	simm.s32 $0x1  }
0x2: {  	[smem:$0x3F9F] =	sst lr;
	_ =	strace $0xD0000000  }
0x3: {  	_ = 	snop  }
0x4: {  	_ = 	snop  }
0x5: {  	_ = 	snop  }
0x6: {  	_ = 	snop  }
0x7: {  	_ = 	snop  }
__scs_overlays_trampoline_lowered:
0x8: {  	[smem:$0x3FAE] =	sst s0  }
0x9: {  	[smem:$0x3FAF] =	sst s1  }
0xa: {  	[smem:$0x3FB0] =	sst s2  }
0xb: {  	[smem:$0x3FB1] =	sst s3  }
0xc: {  	[smem:$0x3FB2] =	sst s4  }
0xd: {  	[smem:$0x3FB3] =	sst s5  }
0xe: {  	[smem:$0x3FB4] =	sst s6  }
0xf: {  	[smem:$0x3FB5] =	sst s7  }
0x10: {  	[smem:$0x3FB6] =	sst s8  }
0x11: {  	[smem:$0x3FB7] =	sst s9;
	s0 =	simm.s32 @!p0 $0x0  }
0x12: {  	s1 =	sld [smem:$0x3F9D];
	s0 =	simm.s32 @p0 $0x1  }
0x13: {  	[smem:$0x3FB8] =	sst s0;
	s0 =	simm.s32 @!p1 $0x0  }
0x14: {  	s2 =	sld [smem:$0x3F9C];
	s0 =	simm.s32 @p1 $0x1  }
0x15: {  	[smem:$0x3FB9] =	sst s0;
	s0 =	simm.s32 @!p2 $0x0  }
0x16: {  	s3 =	sld [smem:$0x3FDB];
	s0 =	simm.s32 @p2 $0x1  }
0x17: {  	s4 =	simm.s32 $0x1BF5;
	[smem:$0x3FBB] =	sst s0  }
0x18: {  	s0 =	sld [smem:$0x3F9E];
	_ =	swait.ge [sflag:s4], $0x0  }
0x19: {  	s7 =	sld [smem:$0x3F9F]  }
0x1a: {  	s8 =	sadd.s32 $0xFFFFE003, lr  }
0x1b: {  	s9 =	sadd.s32 $0xFFFFFEF7, lr;
	s5 =	simm.s32 $0xFFFFFFFF;
	p2 =	slt.u32 s8, $0xFFFFF086  }
0x1c: {  	p1 =	slt.u32 s9, $0xF7A;
	s5 =	simm.s32 @!p2 $0x0  }
0x1d: {  	s5 =	simm.s32 @p1 $0x1;
	p0 =	seq.s32 s7, s2  }
0x1e: {  	s7 =	smul.u32 @!p0 $0xF7A, s2;
	p2 =	seq.s32 @!p0 s5, $0x0  }
0x1f: {  	s9 =	smul.u32 $0xF7A, s1;
	s8 =	simm.s32 @!p0 $0x1BF5;
	p2 =	por !p2, p0  }
0x20: {  	[sflag:s8] =	ssyncset.s32 @!p0 $0xFFFFF086;
	s6 =	sadd.s32 @!p0 s3, s7;
	s7 =	simm.s32 @!p0 $0x108  }
0x21: {  	s3 =	sadd.s32 s3, s9;
	s6 =	sadd.s32 @!p0 $0x88, s6;
	s7 =	simm.s32 @p2 $0x1082  }
0x22: {  	[simem:s7], [sflag:s8] =	dma.local @!p0 [hbm:s6], $0xF7A  }
0x23: {  	s9 =	sor.u32 $0xD0000000, s2;
	s6 =	simm.s32 $0x108;
	_ =	swait.ge @!p0 [sflag:s8], $0x0  }
0x24: {  	s3 =	sadd.s32 $0x88, s3;
	s6 =	simm.s32 @!p1 $0x1082;
	[sflag:s4] =	ssyncset.s32 $0xFFFFF086  }
0x25: {  	[simem:s6], [sflag:s4] =	dma.local [hbm:s3], $0xF7A  }
0x26: {  	[smem:$0x3F9F] =	sst s1;
	(tag) =	ssettag s2;
	_ =	strace s9  }
0x27: {  	s1 =	sld [smem:$0x3FAF]  }
0x28: {  	s2 =	sld [smem:$0x3FB0]  }
0x29: {  	s4 =	sld [smem:$0x3FB2]  }
0x2a: {  	p0 =	seq.s32 s5, $0x0;
	s5 =	sld [smem:$0x3FB3]  }
0x2b: {  	s6 =	sld [smem:$0x3FB4]  }
0x2c: {  	s7 =	sld [smem:$0x3FB5]  }
0x2d: {  	s3 =	simm.s32 $0x108;
	s8 =	sld [smem:$0x3FB6]  }
0x2e: {  	s3 =	simm.s32 @!p0 $0x1082;
	s9 =	sld [smem:$0x3FB7]  }
0x2f: {  	lr =	sadd.s32 s0, s3;
	s0 =	sld [smem:$0x3FAE]  }
0x30: {  	s3 =	sld [smem:$0x3FB1]  }
0x31: {  	[smem:$0x3FBA] =	sst s10  }
0x32: {  	s10 =	sld [smem:$0x3FB8];
	_ =	sdelay $0x3  }
0x33: {  	p0 =	seq.s32 s10, $0x1;
	s10 =	sld [smem:$0x3FBA];
	_ =	sdelay $0x3  }
0x34: {  	[smem:$0x3FBA] =	sst s10  }
0x35: {  	s10 =	sld [smem:$0x3FB9];
	_ =	sdelay $0x3  }
0x36: {  	p1 =	seq.s32 s10, $0x1;
	s10 =	sld [smem:$0x3FBA];
	_ =	sdelay $0x3  }
0x37: {  	[smem:$0x3FBA] =	sst s10  }
0x38: {  	s10 =	sld [smem:$0x3FBB]  }
0x39: {  	_ = 	snop;
	(pc) =	sbr.ind lr, $3  }
0x3a: {  	_ = 	snop  }
0x3b: {  	_ = 	snop  }
0x3c: {  	p2 =	seq.s32 s10, $0x1;
	s10 =	sld [smem:$0x3FBA]  }
0x3d: {  	_ =	shalt  }
0x3e: {  	_ =	shalt  }
0x3f: {  	_ =	shalt  }
0x40: {  	_ =	shalt  }
0x41: {  	_ =	shalt  }
0x42: {  	_ =	shalt  }
0x43: {  	_ =	shalt  }
0x44: {  	_ =	shalt  }
0x45: {  	_ =	shalt  }
0x46: {  	_ =	shalt  }
0x47: {  	_ =	shalt  }
0x48: {  	_ =	shalt  }
0x49: {  	_ =	shalt  }
0x4a: {  	_ =	shalt  }
0x4b: {  	_ =	shalt  }
0x4c: {  	_ =	shalt  }
0x4d: {  	_ =	shalt  }
0x4e: {  	_ =	shalt  }
0x4f: {  	_ =	shalt  }
0x50: {  	_ =	shalt  }
0x51: {  	_ =	shalt  }
0x52: {  	_ =	shalt  }
0x53: {  	_ =	shalt  }
0x54: {  	_ =	shalt  }
0x55: {  	_ =	shalt  }
0x56: {  	_ =	shalt  }
0x57: {  	_ =	shalt  }
0x58: {  	_ =	shalt  }
0x59: {  	_ =	shalt  }
0x5a: {  	_ =	shalt  }
0x5b: {  	_ =	shalt  }
0x5c: {  	_ =	shalt  }
0x5d: {  	_ =	shalt  }
0x5e: {  	_ =	shalt  }
0x5f: {  	_ =	shalt  }
0x60: {  	_ =	shalt  }
0x61: {  	_ =	shalt  }
0x62: {  	_ =	shalt  }
0x63: {  	_ =	shalt  }
0x64: {  	_ =	shalt  }
0x65: {  	_ =	shalt  }
0x66: {  	_ =	shalt  }
0x67: {  	_ =	shalt  }
0x68: {  	_ =	shalt  }
0x69: {  	_ =	shalt  }
0x6a: {  	_ =	shalt  }
0x6b: {  	_ =	shalt  }
0x6c: {  	_ =	shalt  }
0x6d: {  	_ =	shalt  }
0x6e: {  	_ =	shalt  }
0x6f: {  	_ =	shalt  }
0x70: {  	_ =	shalt  }
0x71: {  	_ =	shalt  }
0x72: {  	_ =	shalt  }
0x73: {  	_ =	shalt  }
0x74: {  	_ =	shalt  }
0x75: {  	_ =	shalt  }
0x76: {  	_ =	shalt  }
0x77: {  	_ =	shalt  }
0x78: {  	_ =	shalt  }
0x79: {  	_ =	shalt  }
0x7a: {  	_ =	shalt  }
0x7b: {  	_ =	shalt  }
0x7c: {  	_ =	shalt  }
0x7d: {  	_ =	shalt  }
0x7e: {  	_ =	shalt  }
0x7f: {  	_ =	shalt  }
0x80: {  	_ =	shalt  }
0x81: {  	_ =	shalt  }
0x82: {  	_ =	shalt  }
0x83: {  	_ =	shalt  }
0x84: {  	_ =	shalt  }
0x85: {  	_ =	shalt  }
0x86: {  	_ =	shalt  }
0x87: {  	_ =	shalt  }
.Lfunc_end0:
.L_simem_size_0:
called_computation_lowered:
.L_overlay_start_0:
0x88: {  	s2 =	sld [smem:$0x3FD9]  }
0x89: {  	s3 =	sld [smem:$0x3FFE];
	_ =	sdelay $0x1  }
0x8a: {  	s1 =	srdreg.scid  }
0x8b: {  	s0 =	sand.u32 $0x1, s1  }
0x8c: {  	s17 =	sshll.u32 s0, $0xA;
	s2 =	sadd.s32 s3, s2  }
0x8d: {  	s2 =	sadd.s32 s2, s17  }
0x8e: {  	[smem:$0x3FC6] =	sst s2  }
0x8f: {  	_ = 	snop  }
0x90: {  	s2 =	sld [smem:$0x3FD0];
	(tm) =	ssettm $0x1  }
0x91: {  	s18 =	sld [smem:$0x3FFB];
	_ =	sdelay $0x3  }
0x92: {  	_ =	strace s18  }
0x93: {  	s3 =	sld [smem:$0x3FFC];
	_ =	sdelay $0x3  }
0x94: {  	_ =	strace s3  }
0x95: {  	s3 =	sld [smem:$0x3FFD];
	_ =	sdelay $0x3  }
0x96: {  	_ =	strace s3  }
0x97: {  	_ =	strace $0x8FFFFFFF  }
0x98: {  	s19 =	sld [smem:$0x3FDB];
	_ =	sdelay $0x1  }
0x99: {  	s4 =	simm.s32 $_scs_section_size  }
0x9a: {  	s5 =	simm.s32 $_size__tile_overlayer_lowered;
	s6 =	simm.s32 $_tile_overlayer_lowered  }
0x9b: {  	s22 =	simm.s32 $0x1BFF;
	s21 =	sshll.u32 s6, $0x1;
	s3 =	sadd.s32 s4, s19  }
0x9c: {  	s7 =	simm.s32 $0x0;
	s20 =	sshll.u32 s5, $0x1;
	s5 =	sadd.s32 s21, s3  }
0x9d: {  	[timem:s7], [sflag:s22] =	dma.local [hbm:s5], s20  }
0x9e: {  	_ =	swait.ge [sflag:s22], s20  }
0x9f: {  	s4 =	ssub.s32 $0x0, s20;
	[sflag:s22] =	ssyncset.done $0x0  }
0xa0: {  	[sflag:s22] =	ssyncadd.s32 s4;
	_ =	sdelay $0x1  }
0xa1: {  	s23 =	simm.s32 $0x1B8B  }
0xa2: {  	_ =	swait.ge [sflag:s23], $0x1  }
0xa3: {  	[sflag:s23] =	ssyncset.done $0x0  }
0xa4: {  	s25 =	simm.s32 $0x1B8E;
	s24 =	sld [smem:$0x3FFE];
	[sflag:s23] =	ssyncadd.s32 $0xFFFFFFFF  }
0xa5: {  	s26 =	simm.s32 $execute0_lowered;
	[smem:$0x3FD2] =	sst s25  }
0xa6: {  	s5 =	sshll.u32 s26, $0x1;
	_ =	strace $0x80000046;
	[dreg:$0x1] =	wrdreg $0xFFFFFFFF  }
0xa7: {  	s28 =	simm.s32 $_size_execute0_lowered;
	s3 =	sadd.s32 s3, s5;
	[dreg:$0x0] =	wrdreg $0x0  }
0xa8: {  	s5 =	sshll.u32 s28, $0x1;
	[dreg:$0x2] =	wrdreg s3  }
0xa9: {  	[dreg:$0x3] =	wrdreg s5  }
0xaa: {  	[dreg:$0x4] =	wrdreg $0xC0  }
0xab: {  	_ =	task [dreg:s7], $0x5FFFF  }
0xac: {  	[dreg:$0x1] =	wrdreg $0xFFFFFFFF  }
0xad: {  	[dreg:$0x0] =	wrdreg $0x60  }
0xae: {  	[dreg:$0x2] =	wrdreg s24  }
0xaf: {  	[dreg:$0x3] =	wrdreg s2  }
0xb0: {  	[dreg:$0x4] =	wrdreg $0x9  }
0xb1: {  	_ =	task.clear_ibuf [dreg:s7], $0x5FFFF;
	_ =	strace $0x90000046  }
0xb2: {  	s29 =	simm.s32 $0x9;
	_ =	strace $0x80000048  }
0xb3: {  	_ =	swait.ge [sflag:s29], $0x1  }
0xb4: {  	[sflag:s29] =	ssyncadd.s32 $0xFFFFFFFF  }
0xb5: {  	_ =	strace $0x90000048  }
0xb6: {  	_ =	sfence  }
0xb7: {  	s30 =	sld [smem:$0x0];
	_ =	sdelay $0x2  }
0xb8: {  	s31 =	sshll.u32 s1, $0xD;
	s1 =	sshrl.u32 s1, $0x2  }
0xb9: {  	s3 =	sand.u32 $0x4000, s31;
	s1 =	sadd.s32 s1, s30  }
0xba: {  	s0 =	sor.u32 s3, s0;
	s1 =	sshll.u32 s1, $0x11  }
0xbb: {  	s0 =	sor.u32 s1, s0  }
0xbc: {  	s0 =	sadd.s32 $0x8F2B, s0  }
0xbd: {  	[sflag:s0] =	ssyncadd.remote.s32 $0x1  }
0xbe: {  	_ =	sfence.sel $0xFFFF  }
0xbf: {  	[dreg:$0x0] =	wrdreg $0xFFFFFFFF;
	(pc) =	sbr.abs _section_cstart, $3  }
0xc0: {  	[dreg:$0x1] =	wrdreg $0xFFFFFFFF  }
0xc1: {  	_ =	task.clear_ibuf [dreg:s7], $0x2FFFF;
	_ =	strace $0x9FFFFFFF  }
0xc2: {  	(tm) =	ssettm $0x7FFFFFFF  }
0xc3: {  	_ =	shalt  }
tec
execute0_lowered:
.L_overlay_start_1:
0x0: {  	(tag) =	ssettag $0x1  }
0x1: {  	s0 =	rddreg [dreg:$0x0]  }
0x2: {  	s1 =	srdreg.scid;
	s3 =	stileid.u32  }
0x3: {  	s2 =	rddreg [dreg:$0x1];
	s1 =	sand.u32 $0x1, s1;
	s3 =	sshll.u32 s3, $0x1  }
0x4: {  	s4 =	simm.s32 $0x0;
	s3 =	sor.u32 s1, s3;
	s1 =	ssub.s32 $0x2, s1  }
0x5: {  	[smem:$0x7FF] =	sst s4;
	s29 =	smul.u32 $0x680, s3;
	s5 =	sshrl.u32 s1, $0x1  }
0x6: {  	s6 =	sadd.s32 $0x1A600, s0;
	_ =	strace $0x80000047;
	s1 =	ssub.s32 s1, s5  }
0x7: {  	[dreg:$0x3] =	wrdreg s6;
	s0 =	sadd.s32 s29, s0;
	s31 =	smax.u32 s1, $0x1  }
0x8: {  	s4 =	sadd.s32 $0x600, s0;
	[dreg:$0x7] =	wrdreg s31  }
0x9: {  	s30 =	sshll.u32 s3, $0xB;
	s0 =	sadd.s32 $0xD600, s0;
	[dreg:$0x4] =	wrdreg s4  }
0xa: {  	[dreg:$0x5] =	wrdreg s0;
	s0 =	sadd.s32 s2, s30  }
0xb: {  	s1 =	simm.s32 $0x0;
	[dreg:$0x6] =	wrdreg s0  }
.LBB2_1:
0xc: {  	[dreg:$0x8] =	wrdreg s1  }
0xd: {  	s2 =	simm.s32 $0x0;
	s0 =	rddreg [dreg:$0x4]  }
0xe: {  	[tilespmem:s2], [sflag:$0x1] =	stream.linear.gather [hbm4b:s0+s2], $0x3400, $0x38;
	[tilespmem:$0x13A80] =	vst v63  }
0xf: {  	s29 =	rddreg [dreg:$0x5];
	s30 =	simm.s32 $0x1;
	s0 =	simm.s32 $0x3400  }
0x10: {  	[tilespmem:s0], [sflag:$0x1] =	stream.linear.gather [hbm4b:s29+s2], $0x3400, $0x38;
	[tilespmem:$0x13A80] =	vst v63  }
0x11: {  	_ =	swait.ge [sflag:s30], $0x3400  }
0x12: {  	[sflag:s30] =	ssyncset.done $0x0  }
0x13: {  	[sflag:s30] =	ssyncadd.s32 $0xFFFFCC00  }
0x14: {  	_ =	swait.ge [sflag:s30], $0x3400  }
0x15: {  	[sflag:s30] =	ssyncset.done $0x0  }
0x16: {  	[sflag:s30] =	ssyncadd.s32 $0xFFFFCC00  }
0x17: {  	v0 =	vld [tilespmem:s2+$0x0];
	_ =	sdelay $0x4  }
0x18: {  	s31 =	sand.u32 $0xF8000, s2;
	v1 =	vshra.s32 v0, $0x2;
	v0 =	vand.u32 $0x1FFF, v0  }
0x19: {  	v1 =	vand.u32 $0xFFFFE000, v1;
	v0 =	vor.u32 s31, v0  }
0x1a: {  	v0 =	vadd.s32 v1, v0  }
0x1b: {  	[tilespmem:s2+$0x0] =	vst v0  }
0x1c: {  	v0 =	vld [tilespmem:s0+$0x0];
	_ =	sdelay $0x4  }
0x1d: {  	v0 =	vshrl.u32 v0, $0x8  }
0x1e: {  	s1 =	simm.s32 $0x400;
	s2 =	simm.s32 $0x0;
	v0 =	vand.u32 $0x60, v0  }
.LBB2_2:
0x1f: {  	p0 =	sne.s32 s1, $0xCFC00;
	[tilespmem:s0+$0x0] =	vst v0;
	s2 =	sadd.s32 $0x10, s2;
	s0 =	sadd.s32 $0x10, s0  }
0x20: {  	s3 =	smov.u32 s1;
	s1 =	sadd.s32 $0x400, s1;
	v0 =	vld [tilespmem:s2+$0x0];
	_ =	sdelay $0x4  }
0x21: {  	s3 =	sand.u32 $0xF8000, s3;
	v1 =	vshra.s32 v0, $0x2;
	v0 =	vand.u32 $0x1FFF, v0  }
0x22: {  	v1 =	vand.u32 $0xFFFFE000, v1;
	v0 =	vor.u32 s3, v0  }
0x23: {  	v0 =	vadd.s32 v1, v0  }
0x24: {  	[tilespmem:s2+$0x0] =	vst v0  }
0x25: {  	v0 =	vld [tilespmem:s0+$0x0];
	_ =	sdelay $0x1  }
.Ltmp0:
0x26: {  	(pc) =	sbr.rel @p0 .LBB2_2-.Ltmp0, $3  }
0x27: {  	_ =	sdelay $0x1  }
0x28: {  	v0 =	vshrl.u32 v0, $0x8  }
0x29: {  	v0 =	vand.u32 $0x60, v0  }
0x2a: {  	[tilespmem:s0+$0x0] =	vst v0;
	s3 =	simm.s32 $0x0;
	s13 =	simm.s32 $0x3410  }
.LBB2_4:
0x2b: {  	[dreg:$0x9] =	wrdreg s3;
	s0 =	sshll.u32 s3, $0x4  }
0x2c: {  	s2 =	rddreg [dreg:$0x3];
	s3 =	simm.s32 $0x10;
	s1 =	simm.s32 $0x6880  }
0x2d: {  	[tilespmem:s1], [sflag:$0x1] =	stream.indirect.gather [hbm4b:s2+s3], $0x80, s0, s3, $0xb8;
	[tilespmem:$0x13A80] =	vst v63  }
0x2e: {  	s4 =	simm.s32 $0x7080;
	s7 =	sadd.s32 $0x200, s0  }
0x2f: {  	[tilespmem:s4], [sflag:$0x1] =	stream.indirect.gather [hbm4b:s2+s3], $0x80, s7, s3, $0xb8;
	[tilespmem:$0x13A80] =	vst v63  }
0x30: {  	s9 =	simm.s32 $0x7880;
	s8 =	sadd.s32 $0x400, s0  }
0x31: {  	[tilespmem:s9], [sflag:$0x1] =	stream.indirect.gather [hbm4b:s2+s3], $0x80, s8, s3, $0xb8;
	[tilespmem:$0x13A80] =	vst v63  }
0x32: {  	s11 =	simm.s32 $0x8080;
	s10 =	sadd.s32 $0x600, s0  }
0x33: {  	[tilespmem:s11], [sflag:$0x1] =	stream.indirect.gather [hbm4b:s2+s3], $0x80, s10, s3, $0xb8;
	[tilespmem:$0x13A80] =	vst v63  }
0x34: {  	s14 =	simm.s32 $0x8880;
	s12 =	sadd.s32 $0x800, s0  }
0x35: {  	[tilespmem:s14], [sflag:$0x1] =	stream.indirect.gather [hbm4b:s2+s3], $0x80, s12, s3, $0xb8;
	[tilespmem:$0x13A80] =	vst v63  }
0x36: {  	s16 =	simm.s32 $0x9080;
	s15 =	sadd.s32 $0xA00, s0  }
0x37: {  	[tilespmem:s16], [sflag:$0x1] =	stream.indirect.gather [hbm4b:s2+s3], $0x80, s15, s3, $0xb8;
	[tilespmem:$0x13A80] =	vst v63  }
0x38: {  	s18 =	simm.s32 $0x9880;
	s17 =	sadd.s32 $0xC00, s0  }
0x39: {  	[tilespmem:s18], [sflag:$0x1] =	stream.indirect.gather [hbm4b:s2+s3], $0x80, s17, s3, $0xb8;
	[tilespmem:$0x13A80] =	vst v63  }
0x3a: {  	s20 =	simm.s32 $0xA080;
	s19 =	sadd.s32 $0xE00, s0  }
0x3b: {  	[tilespmem:s20], [sflag:$0x1] =	stream.indirect.gather [hbm4b:s2+s3], $0x80, s19, s3, $0xb8;
	[tilespmem:$0x13A80] =	vst v63  }
0x3c: {  	s22 =	simm.s32 $0xA880;
	s21 =	sadd.s32 $0x1000, s0  }
0x3d: {  	[tilespmem:s22], [sflag:$0x1] =	stream.indirect.gather [hbm4b:s2+s3], $0x80, s21, s3, $0xb8;
	[tilespmem:$0x13A80] =	vst v63  }
0x3e: {  	s24 =	simm.s32 $0xB080;
	s23 =	sadd.s32 $0x1200, s0  }
0x3f: {  	[tilespmem:s24], [sflag:$0x1] =	stream.indirect.gather [hbm4b:s2+s3], $0x80, s23, s3, $0xb8;
	[tilespmem:$0x13A80] =	vst v63  }
0x40: {  	s26 =	simm.s32 $0xB880;
	s25 =	sadd.s32 $0x1400, s0  }
0x41: {  	[tilespmem:s26], [sflag:$0x1] =	stream.indirect.gather [hbm4b:s2+s3], $0x80, s25, s3, $0xb8;
	[tilespmem:$0x13A80] =	vst v63  }
0x42: {  	s29 =	simm.s32 $0xC080;
	s28 =	sadd.s32 $0x1600, s0  }
0x43: {  	[tilespmem:s29], [sflag:$0x1] =	stream.indirect.gather [hbm4b:s2+s3], $0x80, s28, s3, $0xb8;
	[tilespmem:$0x13A80] =	vst v63  }
0x44: {  	s31 =	simm.s32 $0xC880;
	s30 =	sadd.s32 $0x1800, s0  }
0x45: {  	[tilespmem:s31], [sflag:$0x1] =	stream.indirect.gather [hbm4b:s2+s3], $0x80, s30, s3, $0xb8;
	[tilespmem:$0x13A80] =	vst v63  }
0x46: {  	s5 =	simm.s32 $0xD080;
	s4 =	sadd.s32 $0x1A00, s0  }
0x47: {  	[tilespmem:s5], [sflag:$0x1] =	stream.indirect.gather [hbm4b:s2+s3], $0x80, s4, s3, $0xb8;
	[tilespmem:$0x13A80] =	vst v63  }
0x48: {  	s6 =	sadd.s32 $0x1C00, s0;
	s7 =	simm.s32 $0xD880  }
0x49: {  	[tilespmem:s7], [sflag:$0x1] =	stream.indirect.gather [hbm4b:s2+s3], $0x80, s6, s3, $0xb8;
	[tilespmem:$0x13A80] =	vst v63  }
0x4a: {  	s8 =	sadd.s32 $0x1E00, s0;
	s9 =	simm.s32 $0xE080  }
0x4b: {  	[tilespmem:s9], [sflag:$0x1] =	stream.indirect.gather [hbm4b:s2+s3], $0x80, s8, s3, $0xb8;
	[tilespmem:$0x13A80] =	vst v63  }
0x4c: {  	s10 =	sadd.s32 $0x2000, s0;
	s11 =	simm.s32 $0xE880  }
0x4d: {  	[tilespmem:s11], [sflag:$0x1] =	stream.indirect.gather [hbm4b:s2+s3], $0x80, s10, s3, $0xb8;
	[tilespmem:$0x13A80] =	vst v63  }
0x4e: {  	s12 =	sadd.s32 $0x2200, s0;
	s14 =	simm.s32 $0xF080  }
0x4f: {  	[tilespmem:s14], [sflag:$0x1] =	stream.indirect.gather [hbm4b:s2+s3], $0x80, s12, s3, $0xb8;
	[tilespmem:$0x13A80] =	vst v63  }
0x50: {  	s15 =	sadd.s32 $0x2400, s0;
	s16 =	simm.s32 $0xF880  }
0x51: {  	[tilespmem:s16], [sflag:$0x1] =	stream.indirect.gather [hbm4b:s2+s3], $0x80, s15, s3, $0xb8;
	[tilespmem:$0x13A80] =	vst v63  }
0x52: {  	s17 =	sadd.s32 $0x2600, s0;
	s18 =	simm.s32 $0x10080  }
0x53: {  	[tilespmem:s18], [sflag:$0x1] =	stream.indirect.gather [hbm4b:s2+s3], $0x80, s17, s3, $0xb8;
	[tilespmem:$0x13A80] =	vst v63  }
0x54: {  	s19 =	sadd.s32 $0x2800, s0;
	s20 =	simm.s32 $0x10880  }
0x55: {  	[tilespmem:s20], [sflag:$0x1] =	stream.indirect.gather [hbm4b:s2+s3], $0x80, s19, s3, $0xb8;
	[tilespmem:$0x13A80] =	vst v63  }
0x56: {  	s21 =	sadd.s32 $0x2A00, s0;
	s22 =	simm.s32 $0x11080  }
0x57: {  	[tilespmem:s22], [sflag:$0x1] =	stream.indirect.gather [hbm4b:s2+s3], $0x80, s21, s3, $0xb8;
	[tilespmem:$0x13A80] =	vst v63  }
0x58: {  	s23 =	sadd.s32 $0x2C00, s0;
	s24 =	simm.s32 $0x11880  }
0x59: {  	[tilespmem:s24], [sflag:$0x1] =	stream.indirect.gather [hbm4b:s2+s3], $0x80, s23, s3, $0xb8;
	[tilespmem:$0x13A80] =	vst v63  }
0x5a: {  	s25 =	sadd.s32 $0x2E00, s0;
	s26 =	simm.s32 $0x12080  }
0x5b: {  	[tilespmem:s26], [sflag:$0x1] =	stream.indirect.gather [hbm4b:s2+s3], $0x80, s25, s3, $0xb8;
	[tilespmem:$0x13A80] =	vst v63  }
0x5c: {  	s28 =	sadd.s32 $0x3000, s0;
	s29 =	simm.s32 $0x12880  }
0x5d: {  	[tilespmem:s29], [sflag:$0x1] =	stream.indirect.gather [hbm4b:s2+s3], $0x80, s28, s3, $0xb8;
	[tilespmem:$0x13A80] =	vst v63  }
0x5e: {  	s0 =	sadd.s32 $0x3200, s0;
	s30 =	simm.s32 $0x13080;
	s31 =	simm.s32 $0x1  }
0x5f: {  	[tilespmem:s30], [sflag:$0x1] =	stream.indirect.gather [hbm4b:s2+s3], $0x80, s0, s3, $0xb8;
	[tilespmem:$0x13A80] =	vst v63  }
0x60: {  	_ =	swait.ge [sflag:s31], $0x800  }
0x61: {  	[sflag:s31] =	ssyncset.done $0x0  }
0x62: {  	[sflag:s31] =	ssyncadd.s32 $0xFFFFF800  }
0x63: {  	_ =	swait.ge [sflag:s31], $0x800  }
0x64: {  	[sflag:s31] =	ssyncset.done $0x0  }
0x65: {  	[sflag:s31] =	ssyncadd.s32 $0xFFFFF800  }
0x66: {  	_ =	swait.ge [sflag:s31], $0x800  }
0x67: {  	[sflag:s31] =	ssyncset.done $0x0  }
0x68: {  	[sflag:s31] =	ssyncadd.s32 $0xFFFFF800  }
0x69: {  	_ =	swait.ge [sflag:s31], $0x800  }
0x6a: {  	[sflag:s31] =	ssyncset.done $0x0  }
0x6b: {  	[sflag:s31] =	ssyncadd.s32 $0xFFFFF800  }
0x6c: {  	_ =	swait.ge [sflag:s31], $0x800  }
0x6d: {  	[sflag:s31] =	ssyncset.done $0x0  }
0x6e: {  	[sflag:s31] =	ssyncadd.s32 $0xFFFFF800  }
0x6f: {  	_ =	swait.ge [sflag:s31], $0x800  }
0x70: {  	[sflag:s31] =	ssyncset.done $0x0  }
0x71: {  	[sflag:s31] =	ssyncadd.s32 $0xFFFFF800  }
0x72: {  	_ =	swait.ge [sflag:s31], $0x800  }
0x73: {  	[sflag:s31] =	ssyncset.done $0x0  }
0x74: {  	[sflag:s31] =	ssyncadd.s32 $0xFFFFF800  }
0x75: {  	_ =	swait.ge [sflag:s31], $0x800  }
0x76: {  	[sflag:s31] =	ssyncset.done $0x0  }
0x77: {  	[sflag:s31] =	ssyncadd.s32 $0xFFFFF800  }
0x78: {  	_ =	swait.ge [sflag:s31], $0x800  }
0x79: {  	[sflag:s31] =	ssyncset.done $0x0  }
0x7a: {  	[sflag:s31] =	ssyncadd.s32 $0xFFFFF800  }
0x7b: {  	_ =	swait.ge [sflag:s31], $0x800  }
0x7c: {  	[sflag:s31] =	ssyncset.done $0x0  }
0x7d: {  	[sflag:s31] =	ssyncadd.s32 $0xFFFFF800  }
0x7e: {  	_ =	swait.ge [sflag:s31], $0x800  }
0x7f: {  	[sflag:s31] =	ssyncset.done $0x0  }
0x80: {  	[sflag:s31] =	ssyncadd.s32 $0xFFFFF800  }
0x81: {  	_ =	swait.ge [sflag:s31], $0x800  }
0x82: {  	[sflag:s31] =	ssyncset.done $0x0  }
0x83: {  	[sflag:s31] =	ssyncadd.s32 $0xFFFFF800  }
0x84: {  	_ =	swait.ge [sflag:s31], $0x800  }
0x85: {  	[sflag:s31] =	ssyncset.done $0x0  }
0x86: {  	[sflag:s31] =	ssyncadd.s32 $0xFFFFF800  }
0x87: {  	_ =	swait.ge [sflag:s31], $0x800  }
0x88: {  	[sflag:s31] =	ssyncset.done $0x0  }
0x89: {  	[sflag:s31] =	ssyncadd.s32 $0xFFFFF800  }
0x8a: {  	_ =	swait.ge [sflag:s31], $0x800  }
0x8b: {  	[sflag:s31] =	ssyncset.done $0x0  }
0x8c: {  	[sflag:s31] =	ssyncadd.s32 $0xFFFFF800  }
0x8d: {  	_ =	swait.ge [sflag:s31], $0x800  }
0x8e: {  	[sflag:s31] =	ssyncset.done $0x0  }
0x8f: {  	[sflag:s31] =	ssyncadd.s32 $0xFFFFF800  }
0x90: {  	_ =	swait.ge [sflag:s31], $0x800  }
0x91: {  	[sflag:s31] =	ssyncset.done $0x0  }
0x92: {  	[sflag:s31] =	ssyncadd.s32 $0xFFFFF800  }
0x93: {  	_ =	swait.ge [sflag:s31], $0x800  }
0x94: {  	[sflag:s31] =	ssyncset.done $0x0  }
0x95: {  	[sflag:s31] =	ssyncadd.s32 $0xFFFFF800  }
0x96: {  	_ =	swait.ge [sflag:s31], $0x800  }
0x97: {  	[sflag:s31] =	ssyncset.done $0x0  }
0x98: {  	[sflag:s31] =	ssyncadd.s32 $0xFFFFF800  }
0x99: {  	_ =	swait.ge [sflag:s31], $0x800  }
0x9a: {  	[sflag:s31] =	ssyncset.done $0x0  }
0x9b: {  	[sflag:s31] =	ssyncadd.s32 $0xFFFFF800  }
0x9c: {  	_ =	swait.ge [sflag:s31], $0x800  }
0x9d: {  	[sflag:s31] =	ssyncset.done $0x0  }
0x9e: {  	[sflag:s31] =	ssyncadd.s32 $0xFFFFF800  }
0x9f: {  	_ =	swait.ge [sflag:s31], $0x800  }
0xa0: {  	[sflag:s31] =	ssyncset.done $0x0  }
0xa1: {  	[sflag:s31] =	ssyncadd.s32 $0xFFFFF800  }
0xa2: {  	_ =	swait.ge [sflag:s31], $0x800  }
0xa3: {  	[sflag:s31] =	ssyncset.done $0x0  }
0xa4: {  	[sflag:s31] =	ssyncadd.s32 $0xFFFFF800  }
0xa5: {  	_ =	swait.ge [sflag:s31], $0x800  }
0xa6: {  	[sflag:s31] =	ssyncset.done $0x0  }
0xa7: {  	[sflag:s31] =	ssyncadd.s32 $0xFFFFF800  }
0xa8: {  	_ =	swait.ge [sflag:s31], $0x800  }
0xa9: {  	[sflag:s31] =	ssyncset.done $0x0  }
0xaa: {  	[sflag:s31] =	ssyncadd.s32 $0xFFFFF800  }
0xab: {  	_ =	swait.ge [sflag:s31], $0x800  }
0xac: {  	s6 =	simm.s32 $0x13890;
	[sflag:s31] =	ssyncset.done $0x0  }
0xad: {  	s16 =	simm.s32 $0x0;
	[dreg:$0xa] =	wrdreg s13;
	[sflag:s31] =	ssyncadd.s32 $0xFFFFF800  }
.LBB2_5:
0xae: {  	v0 =	vld [tilespmem:s13+$0xFFFFFFF0];
	_ =	sdelay $0x4  }
0xaf: {  	(v2sf) =	vpush v0, $0x0  }
0xb0: {  	(v2sf) =	vpush v0, $0x1  }
0xb1: {  	(v2sf) =	vpush v0, $0x2;
	_ =	sdelay $0x1  }
0xb2: {  	(v2sf) =	vpush v0, $0x3;
	_ =	sdelay $0x1  }
0xb3: {  	(v2sf) =	vpush v0, $0x4;
	_ =	sdelay $0x2  }
0xb4: {  	(v2sf) =	vpush v0, $0x5;
	_ =	sdelay $0x2  }
0xb5: {  	(v2sf) =	vpush v0, $0x6;
	_ =	sdelay $0x1  }
0xb6: {  	(v2sf) =	vpush v0, $0x7  }
0xb7: {  	s3 =	spop (v2sf)  }
0xb8: {  	s9 =	spop (v2sf);
	s0 =	sand.u32 $0x7F, s3;
	s1 =	sshll.u32 s3, $0x2  }
0xb9: {  	(v2sf) =	vpush v0, $0x8;
	s3 =	sadd.s32 $0x10, s3;
	s12 =	spop (v2sf);
	s1 =	sand.u32 $0xFFFFFE00, s1  }
0xba: {  	s0 =	sshll.u32 s0, $0x2;
	s2 =	sshll.u32 s9, $0x2;
	s4 =	sand.u32 $0x7F, s9  }
0xbb: {  	s9 =	sadd.s32 $0x10, s9;
	s15 =	spop (v2sf);
	s10 =	sor.u32 s0, s1  }
0xbc: {  	(v2sf) =	vpush v0, $0x9;
	s19 =	sand.u32 $0xFFFFFE00, s2;
	s0 =	sshll.u32 s4, $0x2;
	s20 =	sand.u32 $0x7F, s12  }
0xbd: {  	s4 =	sshll.u32 s12, $0x2;
	s12 =	sadd.s32 $0x10, s12;
	s11 =	spop (v2sf)  }
0xbe: {  	(v2sf) =	vpush v0, $0xA;
	s19 =	sor.u32 s0, s19;
	s21 =	sand.u32 $0xFFFFFE00, s4;
	s23 =	sshll.u32 s20, $0x2  }
0xbf: {  	s24 =	sand.u32 $0x7F, s15;
	s25 =	sshll.u32 s15, $0x2;
	s10 =	sshra.s32 s10, $0x2  }
0xc0: {  	s15 =	sadd.s32 $0x10, s15;
	s22 =	spop (v2sf);
	s20 =	sor.u32 s23, s21  }
0xc1: {  	(v2sf) =	vpush v0, $0xB;
	s1 =	sand.u32 $0xFFFFFE00, s25;
	s0 =	sshll.u32 s24, $0x2;
	s26 =	sshll.u32 s11, $0x2  }
0xc2: {  	s28 =	sand.u32 $0x7F, s11;
	s19 =	sshra.s32 s19, $0x2;
	s11 =	sadd.s32 $0x10, s11  }
0xc3: {  	s18 =	spop (v2sf);
	s21 =	sor.u32 s0, s1;
	s29 =	sand.u32 $0xFFFFFE00, s26  }
0xc4: {  	s0 =	sshll.u32 s28, $0x2;
	[dreg:$0x17] =	wrdreg s22;
	s30 =	sand.u32 $0x7F, s22  }
0xc5: {  	s31 =	sshll.u32 s22, $0x2;
	s20 =	sshra.s32 s20, $0x2;
	s7 =	spop (v2sf)  }
0xc6: {  	s24 =	sor.u32 s0, s29;
	s1 =	sand.u32 $0xFFFFFE00, s31;
	s4 =	sshll.u32 s30, $0x2  }
0xc7: {  	(v2sf) =	vpush v0, $0xC;
	[dreg:$0x16] =	wrdreg s18;
	s22 =	sand.u32 $0x7F, s18;
	s23 =	sshll.u32 s18, $0x2  }
0xc8: {  	(v2sf) =	vpush v0, $0xD;
	s21 =	sshra.s32 s21, $0x2;
	s17 =	spop (v2sf);
	s26 =	sor.u32 s4, s1  }
0xc9: {  	s1 =	sand.u32 $0xFFFFFE00, s23;
	s0 =	sshll.u32 s22, $0x2;
	[dreg:$0x15] =	wrdreg s7  }
0xca: {  	s25 =	sshll.u32 s7, $0x2;
	s28 =	sand.u32 $0x7F, s7;
	s24 =	sshra.s32 s24, $0x2  }
0xcb: {  	(v2sf) =	vpush v0, $0xE;
	s14 =	spop (v2sf);
	s2 =	sor.u32 s0, s1;
	s29 =	sand.u32 $0xFFFFFE00, s25  }
0xcc: {  	(v2sf) =	vpush v0, $0xF;
	s0 =	sshll.u32 s28, $0x2;
	[dreg:$0x14] =	wrdreg s17;
	s30 =	sand.u32 $0x7F, s17  }
0xcd: {  	v1 =	vld [tilespmem:s13+$0x0];
	s31 =	sshll.u32 s17, $0x2;
	s8 =	spop (v2sf);
	s22 =	sor.u32 s0, s29  }
0xce: {  	s7 =	sand.u32 $0xFFFFFE00, s31;
	s17 =	sshll.u32 s30, $0x2;
	[dreg:$0x13] =	wrdreg s14  }
0xcf: {  	s18 =	sand.u32 $0x7F, s14;
	s25 =	sshll.u32 s14, $0x2;
	s2 =	sshra.s32 s2, $0x2  }
0xd0: {  	s5 =	spop (v2sf);
	s23 =	sor.u32 s17, s7;
	s1 =	sand.u32 $0xFFFFFE00, s25  }
0xd1: {  	s0 =	sshll.u32 s18, $0x2;
	[dreg:$0x12] =	wrdreg s8;
	s28 =	sshll.u32 s8, $0x2  }
0xd2: {  	(v2sf) =	vpush v1, $0x0;
	s29 =	sand.u32 $0x7F, s8;
	s22 =	sshra.s32 s22, $0x2;
	s1 =	sor.u32 s0, s1  }
0xd3: {  	s4 =	sand.u32 $0xFFFFFE00, s28;
	s0 =	sshll.u32 s29, $0x2;
	[dreg:$0x11] =	wrdreg s5  }
0xd4: {  	s30 =	sand.u32 $0x7F, s5;
	s31 =	sshll.u32 s5, $0x2;
	s23 =	sshra.s32 s23, $0x2  }
0xd5: {  	s8 =	sand.u32 $0xFFFFFE00, s31;
	s5 =	sshll.u32 s30, $0x2;
	s31 =	sor.u32 s0, s4  }
0xd6: {  	(v2sf) =	vpush v1, $0x1;
	s1 =	sshra.s32 s1, $0x2;
	s18 =	sor.u32 s5, s8;
	s7 =	spop (v2sf)  }
0xd7: {  	s17 =	sshll.u32 s7, $0x2;
	s25 =	spop (v2sf);
	s28 =	sand.u32 $0x7F, s7  }
0xd8: {  	s7 =	sadd.s32 $0x10, s7;
	s0 =	sand.u32 $0xFFFFFE00, s17;
	[dreg:$0xe] =	wrdreg s25  }
0xd9: {  	s4 =	sshll.u32 s28, $0x2;
	s29 =	sand.u32 $0x7F, s25;
	s30 =	sshll.u32 s25, $0x2  }
0xda: {  	(v2sf) =	vpush v1, $0x2;
	s5 =	spop (v2sf);
	s14 =	sand.u32 $0xFFFFFE00, s30;
	s8 =	sshll.u32 s29, $0x2  }
0xdb: {  	[dreg:$0x10] =	wrdreg s5;
	s4 =	sor.u32 s4, s0;
	s25 =	spop (v2sf)  }
0xdc: {  	(v2sf) =	vpush v1, $0x3;
	s28 =	sand.u32 $0x7F, s5;
	s0 =	sor.u32 s8, s14;
	s14 =	sshll.u32 s5, $0x2  }
0xdd: {  	[dreg:$0xd] =	wrdreg s25;
	s29 =	sand.u32 $0x7F, s25;
	s25 =	sshll.u32 s25, $0x2  }
0xde: {  	s4 =	sshra.s32 s4, $0x2;
	s8 =	sand.u32 $0xFFFFFE00, s14;
	s14 =	sshll.u32 s28, $0x2  }
0xdf: {  	(v2sf) =	vpush v1, $0x4;
	s30 =	sand.u32 $0xFFFFFE00, s25;
	s17 =	sshll.u32 s29, $0x2;
	s0 =	sshra.s32 s0, $0x2  }
0xe0: {  	(v2sf) =	vpush v1, $0x5;
	s14 =	sor.u32 s14, s8;
	s8 =	sor.u32 s17, s30;
	s17 =	sshra.s32 s16, $0x2  }
0xe1: {  	s5 =	sadd.s32 s17, s10;
	s10 =	spop (v2sf);
	s19 =	sadd.s32 s17, s19  }
0xe2: {  	s20 =	sadd.s32 s17, s20;
	s21 =	sadd.s32 s17, s21;
	s22 =	sadd.s32 s17, s22  }
0xe3: {  	s23 =	sadd.s32 s17, s23;
	s1 =	sadd.s32 s17, s1;
	s4 =	sadd.s32 s17, s4;
	v16 =	vld [tilespmem:s5+$0x6880]  }
0xe4: {  	s0 =	sadd.s32 s17, s0;
	s8 =	sshra.s32 s8, $0x2;
	s28 =	sshll.u32 s10, $0x2;
	v2 =	vld [tilespmem:s19+$0x7080]  }
0xe5: {  	(v2sf) =	vpush v1, $0x6;
	s29 =	spop (v2sf);
	s19 =	sand.u32 $0x7F, s10;
	s25 =	sand.u32 $0xFFFFFE00, s28  }
0xe6: {  	v3 =	vld [tilespmem:s20+$0x7880];
	(v2sf) =	vpush v1, $0x7;
	[dreg:$0xb] =	wrdreg s29;
	s30 =	sand.u32 $0x7F, s29;
	s29 =	sshll.u32 s29, $0x2  }
0xe7: {  	s19 =	sshll.u32 s19, $0x2;
	s29 =	sand.u32 $0xFFFFFE00, s29;
	s28 =	sshll.u32 s30, $0x2  }
0xe8: {  	v4 =	vld [tilespmem:s21+$0x8080];
	s10 =	sadd.s32 $0x10, s10;
	s19 =	sor.u32 s19, s25;
	s20 =	sor.u32 s28, s29  }
0xe9: {  	s28 =	sadd.s32 s17, s24;
	s29 =	sshra.s32 s26, $0x2;
	v0 =	vadd.f32 v2, v16;
	s5 =	spop (v2sf)  }
0xea: {  	s24 =	sadd.s32 s17, s29;
	v17 =	vld [tilespmem:s28+$0x8880];
	[dreg:$0xf] =	wrdreg s5;
	s30 =	sshll.u32 s5, $0x2  }
0xeb: {  	(v2sf) =	vpush v1, $0x8;
	v0 =	vadd.f32 v3, v0;
	s26 =	spop (v2sf);
	s21 =	sand.u32 $0x7F, s5;
	s25 =	sand.u32 $0xFFFFFE00, s30  }
0xec: {  	v18 =	vld [tilespmem:s24+$0x9080];
	(v2sf) =	vpush v1, $0x9;
	s5 =	sand.u32 $0x7F, s26;
	s30 =	sshll.u32 s26, $0x2;
	s21 =	sshll.u32 s21, $0x2  }
0xed: {  	v0 =	vadd.f32 v4, v0;
	s29 =	sand.u32 $0xFFFFFE00, s30;
	s28 =	sshll.u32 s5, $0x2;
	s5 =	sadd.s32 s17, s2  }
0xee: {  	s24 =	sor.u32 s21, s25;
	s2 =	spop (v2sf);
	s21 =	sor.u32 s28, s29;
	v19 =	vld [tilespmem:s5+$0x9880]  }
0xef: {  	v20 =	vld [tilespmem:s22+$0xA080];
	s28 =	sshll.u32 s2, $0x2;
	v0 =	vadd.f32 v17, v0;
	s29 =	spop (v2sf);
	s22 =	sand.u32 $0x7F, s2  }
0xf0: {  	s2 =	sadd.s32 $0x10, s2;
	s25 =	sand.u32 $0xFFFFFE00, s28;
	[dreg:$0xc] =	wrdreg s29  }
0xf1: {  	s30 =	sand.u32 $0x7F, s29;
	s5 =	sshll.u32 s29, $0x2;
	s22 =	sshll.u32 s22, $0x2;
	v0 =	vadd.f32 v18, v0  }
0xf2: {  	v21 =	vld [tilespmem:s23+$0xA880];
	s21 =	sshra.s32 s21, $0x2;
	s29 =	sand.u32 $0xFFFFFE00, s5;
	s28 =	sshll.u32 s30, $0x2  }
0xf3: {  	s25 =	sor.u32 s22, s25;
	s22 =	sor.u32 s28, s29;
	s28 =	sshra.s32 s31, $0x2;
	v0 =	vadd.f32 v19, v0  }
0xf4: {  	v22 =	vld [tilespmem:s1+$0xB080];
	s31 =	spop (v2sf);
	s29 =	sshra.s32 s18, $0x2;
	s23 =	sadd.s32 s17, s28  }
0xf5: {  	s30 =	sshll.u32 s31, $0x2;
	s28 =	sadd.s32 s17, s29;
	s1 =	spop (v2sf);
	v0 =	vadd.f32 v20, v0  }
0xf6: {  	s18 =	sand.u32 $0xFFFFFE00, s30;
	v23 =	vld [tilespmem:s23+$0xB880];
	s5 =	sand.u32 $0x7F, s1;
	s30 =	sshll.u32 s1, $0x2  }
0xf7: {  	s22 =	sshra.s32 s22, $0x2;
	s30 =	sand.u32 $0xFFFFFE00, s30;
	s29 =	sshll.u32 s5, $0x2;
	v0 =	vadd.f32 v21, v0  }
0xf8: {  	s23 =	sand.u32 $0x7F, s31;
	v24 =	vld [tilespmem:s28+$0xC080];
	s28 =	sor.u32 s29, s30;
	s30 =	sshra.s32 s14, $0x2  }
0xf9: {  	v25 =	vld [tilespmem:s4+$0xC880];
	s1 =	sadd.s32 $0x10, s1;
	s23 =	sshll.u32 s23, $0x2;
	s29 =	sadd.s32 s17, s30;
	v0 =	vadd.f32 v22, v0  }
0xfa: {  	s18 =	sor.u32 s23, s18;
	v27 =	vld [tilespmem:s29+$0xD880];
	s29 =	sshra.s32 s19, $0x2;
	s23 =	spop (v2sf)  }
0xfb: {  	v26 =	vld [tilespmem:s0+$0xD080];
	s5 =	sshll.u32 s23, $0x2;
	s4 =	spop (v2sf);
	s0 =	sand.u32 $0x7F, s23;
	v0 =	vadd.f32 v23, v0  }
0xfc: {  	s14 =	sand.u32 $0xFFFFFE00, s5;
	s30 =	sand.u32 $0x7F, s4;
	s5 =	sshll.u32 s4, $0x2  }
0xfd: {  	s0 =	sshll.u32 s0, $0x2;
	s5 =	sand.u32 $0xFFFFFE00, s5;
	s30 =	sshll.u32 s30, $0x2;
	v0 =	vadd.f32 v24, v0  }
0xfe: {  	s23 =	sadd.s32 $0x10, s23;
	s0 =	sor.u32 s0, s14;
	s14 =	sor.u32 s30, s5  }
0xff: {  	s5 =	sadd.s32 s17, s8;
	s30 =	sshra.s32 s20, $0x2;
	s8 =	sadd.s32 s17, s29;
	v0 =	vadd.f32 v25, v0  }
0x100: {  	s29 =	sand.u32 $0x7F, s3;
	s3 =	sshll.u32 s3, $0x2;
	s0 =	sshra.s32 s0, $0x2;
	v28 =	vld [tilespmem:s5+$0xE080]  }
0x101: {  	s20 =	sadd.s32 s17, s30;
	s3 =	sand.u32 $0xFFFFFE00, s3;
	s30 =	sand.u32 $0x7F, s9;
	v0 =	vadd.f32 v26, v0  }
0x102: {  	v29 =	vld [tilespmem:s8+$0xE880];
	s9 =	sshll.u32 s9, $0x2;
	s19 =	sshll.u32 s29, $0x2;
	s0 =	sadd.s32 s17, s0  }
0x103: {  	s14 =	sshra.s32 s14, $0x2;
	s9 =	sand.u32 $0xFFFFFE00, s9;
	s5 =	sshll.u32 s30, $0x2;
	v0 =	vadd.f32 v27, v0  }
0x104: {  	v30 =	vld [tilespmem:s20+$0xF080];
	s8 =	sor.u32 s19, s3;
	s20 =	sshra.s32 s24, $0x2;
	s24 =	sshra.s32 s25, $0x2  }
0x105: {  	s25 =	sadd.s32 s17, s21;
	s3 =	sor.u32 s5, s9;
	s5 =	sadd.s32 s17, s20;
	v0 =	vadd.f32 v28, v0  }
0x106: {  	s30 =	sand.u32 $0x7F, s12;
	s12 =	sshll.u32 s12, $0x2;
	s21 =	sand.u32 $0x7F, s15;
	v31 =	vld [tilespmem:s5+$0xF880]  }
0x107: {  	s15 =	sshll.u32 s15, $0x2;
	s29 =	sadd.s32 s17, s24;
	s20 =	sand.u32 $0xFFFFFE00, s12;
	v0 =	vadd.f32 v29, v0  }
0x108: {  	v32 =	vld [tilespmem:s25+$0x10080];
	s19 =	sshll.u32 s30, $0x2;
	s15 =	sand.u32 $0xFFFFFE00, s15;
	s12 =	sshll.u32 s21, $0x2  }
0x109: {  	s24 =	sshra.s32 s18, $0x2;
	s25 =	sshra.s32 s28, $0x2;
	s30 =	sand.u32 $0x7F, s11;
	v0 =	vadd.f32 v30, v0  }
0x10a: {  	s11 =	sshll.u32 s11, $0x2;
	s8 =	sshra.s32 s8, $0x2;
	v33 =	vld [tilespmem:s29+$0x10880];
	s9 =	sor.u32 s19, s20  }
0x10b: {  	s12 =	sor.u32 s12, s15;
	s5 =	sadd.s32 s17, s22;
	s28 =	sadd.s32 s17, s24;
	v0 =	vadd.f32 v31, v0  }
0x10c: {  	s29 =	sadd.s32 s17, s25;
	s20 =	rddreg [dreg:$0x17];
	s21 =	sand.u32 $0xFFFFFE00, s11;
	v34 =	vld [tilespmem:s5+$0x11080]  }
0x10d: {  	s18 =	sshll.u32 s30, $0x2;
	s24 =	rddreg [dreg:$0x16];
	s25 =	sadd.s32 s17, s14;
	v35 =	vld [tilespmem:s28+$0x11880];
	v0 =	vadd.f32 v32, v0  }
0x10e: {  	s8 =	sadd.s32 s17, s8;
	s3 =	sshra.s32 s3, $0x2;
	v36 =	vld [tilespmem:s29+$0x12080];
	s29 =	rddreg [dreg:$0x15]  }
0x10f: {  	s19 =	sadd.s32 $0x10, s20;
	s5 =	sor.u32 s18, s21;
	s21 =	rddreg [dreg:$0x13];
	v0 =	vadd.f32 v33, v0  }
0x110: {  	s15 =	sadd.s32 $0x10, s24;
	s24 =	rddreg [dreg:$0x12];
	s3 =	sadd.s32 s17, s3  }
0x111: {  	s22 =	sand.u32 $0x7F, s19;
	s19 =	sshll.u32 s19, $0x2;
	s28 =	sand.u32 $0x7F, s15;
	v0 =	vadd.f32 v34, v0  }
0x112: {  	v37 =	vld [tilespmem:s0+$0x12880];
	s15 =	sshll.u32 s15, $0x2;
	s18 =	sadd.s32 $0x10, s29;
	s5 =	sshra.s32 s5, $0x2  }
0x113: {  	s19 =	sand.u32 $0xFFFFFE00, s19;
	s11 =	sshll.u32 s22, $0x2;
	s15 =	sand.u32 $0xFFFFFE00, s15;
	v0 =	vadd.f32 v35, v0  }
0x114: {  	v38 =	vld [tilespmem:s25+$0x13080];
	s14 =	sshll.u32 s28, $0x2;
	s30 =	sand.u32 $0x7F, s18;
	s18 =	sshll.u32 s18, $0x2  }
0x115: {  	s5 =	sadd.s32 s17, s5;
	s11 =	sor.u32 s11, s19;
	s0 =	sor.u32 s14, s15;
	v0 =	vadd.f32 v36, v0  }
0x116: {  	s15 =	sand.u32 $0xFFFFFE00, s18;
	s14 =	sshll.u32 s30, $0x2;
	s19 =	rddreg [dreg:$0x14]  }
0x117: {  	s18 =	sadd.s32 $0x10, s19;
	s14 =	sor.u32 s14, s15;
	s19 =	sadd.s32 $0x10, s21;
	v0 =	vadd.f32 v37, v0  }
0x118: {  	s20 =	sand.u32 $0x7F, s18;
	s18 =	sshll.u32 s18, $0x2;
	s22 =	sand.u32 $0x7F, s19  }
0x119: {  	s19 =	sshll.u32 s19, $0x2;
	s18 =	sand.u32 $0xFFFFFE00, s18;
	s15 =	sshll.u32 s20, $0x2;
	v0 =	vadd.f32 v38, v0  }
0x11a: {  	s19 =	sand.u32 $0xFFFFFE00, s19;
	s15 =	sor.u32 s15, s18;
	s18 =	sshll.u32 s22, $0x2  }
0x11b: {  	s21 =	sshra.s32 s11, $0x2;
	s18 =	sor.u32 s18, s19;
	s19 =	sadd.s32 $0x10, s24;
	[tilespmem:s6+$0xFFFFFFF0] =	vst v0  }
0x11c: {  	s0 =	sshra.s32 s0, $0x2;
	s25 =	sand.u32 $0x7F, s19;
	s19 =	sshll.u32 s19, $0x2;
	v0 =	vld [tilespmem:s8+$0x6880]  }
0x11d: {  	s0 =	sadd.s32 s17, s0;
	s28 =	sand.u32 $0xFFFFFE00, s19;
	s19 =	sshra.s32 s9, $0x2;
	v39 =	vld [tilespmem:s3+$0x7080]  }
0x11e: {  	s20 =	sshra.s32 s12, $0x2;
	s22 =	sshra.s32 s14, $0x2;
	s8 =	sadd.s32 s17, s19  }
0x11f: {  	s24 =	sadd.s32 s17, s22;
	s29 =	sshll.u32 s25, $0x2;
	s9 =	sadd.s32 s17, s20;
	v40 =	vld [tilespmem:s8+$0x7880]  }
0x120: {  	s25 =	sshra.s32 s15, $0x2;
	s15 =	rddreg [dreg:$0xe];
	s30 =	sor.u32 s29, s28  }
0x121: {  	s28 =	sshra.s32 s18, $0x2;
	s11 =	sadd.s32 s17, s25;
	s29 =	rddreg [dreg:$0x11];
	v41 =	vld [tilespmem:s9+$0x8080]  }
0x122: {  	s25 =	rddreg [dreg:$0xd];
	s12 =	sadd.s32 s17, s28;
	s14 =	sadd.s32 $0x10, s29;
	v0 =	vadd.f32 v39, v0  }
0x123: {  	v42 =	vld [tilespmem:s5+$0x8880];
	s3 =	sshra.s32 s30, $0x2;
	s30 =	sand.u32 $0x7F, s14;
	s14 =	sshll.u32 s14, $0x2  }
0x124: {  	s8 =	sadd.s32 s17, s21;
	s14 =	sand.u32 $0xFFFFFE00, s14;
	s5 =	sshll.u32 s30, $0x2;
	v0 =	vadd.f32 v40, v0  }
0x125: {  	s21 =	rddreg [dreg:$0x10];
	s30 =	sand.u32 $0x7F, s10;
	s10 =	sshll.u32 s10, $0x2;
	v43 =	vld [tilespmem:s8+$0x9080]  }
0x126: {  	s5 =	sor.u32 s5, s14;
	s14 =	sand.u32 $0x7F, s7;
	s7 =	sshll.u32 s7, $0x2;
	v0 =	vadd.f32 v41, v0  }
0x127: {  	v44 =	vld [tilespmem:s0+$0x9880];
	s3 =	sadd.s32 s17, s3;
	s10 =	sand.u32 $0xFFFFFE00, s10;
	s7 =	sand.u32 $0xFFFFFE00, s7  }
0x128: {  	s8 =	sshll.u32 s14, $0x2;
	s14 =	sadd.s32 $0x10, s15;
	s5 =	sshra.s32 s5, $0x2;
	v0 =	vadd.f32 v42, v0  }
0x129: {  	v45 =	vld [tilespmem:s24+$0xA080];
	s18 =	sor.u32 s8, s7;
	s19 =	sand.u32 $0x7F, s14;
	s20 =	sshll.u32 s14, $0x2  }
0x12a: {  	s14 =	sadd.s32 $0x10, s21;
	s5 =	sadd.s32 s17, s5;
	s21 =	rddreg [dreg:$0xf];
	v0 =	vadd.f32 v43, v0  }
0x12b: {  	v46 =	vld [tilespmem:s11+$0xA880];
	s8 =	sand.u32 $0xFFFFFE00, s20;
	s7 =	sshll.u32 s19, $0x2;
	s22 =	sand.u32 $0x7F, s14  }
0x12c: {  	s24 =	sshll.u32 s14, $0x2;
	s14 =	sadd.s32 $0x10, s25;
	s0 =	sshra.s32 s18, $0x2;
	v0 =	vadd.f32 v44, v0  }
0x12d: {  	v47 =	vld [tilespmem:s12+$0xB080];
	s18 =	rddreg [dreg:$0xb];
	s25 =	sadd.s32 $0x10, s26;
	s7 =	sor.u32 s7, s8  }
0x12e: {  	s9 =	sand.u32 $0xFFFFFE00, s24;
	s8 =	sshll.u32 s22, $0x2;
	s28 =	sand.u32 $0x7F, s14;
	v0 =	vadd.f32 v45, v0  }
0x12f: {  	v48 =	vld [tilespmem:s3+$0xB880];
	s29 =	sshll.u32 s14, $0x2;
	s0 =	sadd.s32 s17, s0;
	s26 =	sand.u32 $0x7F, s25  }
0x130: {  	s8 =	sor.u32 s8, s9;
	s11 =	sand.u32 $0xFFFFFE00, s29;
	s9 =	sshll.u32 s28, $0x2;
	v0 =	vadd.f32 v46, v0  }
0x131: {  	v49 =	vld [tilespmem:s5+$0xC080];
	s7 =	sshra.s32 s7, $0x2;
	s28 =	sshll.u32 s25, $0x2;
	s29 =	sand.u32 $0x7F, s2  }
0x132: {  	s2 =	sshll.u32 s2, $0x2;
	s9 =	sor.u32 s9, s11;
	s11 =	sshll.u32 s30, $0x2;
	v0 =	vadd.f32 v47, v0  }
0x133: {  	v50 =	vld [tilespmem:s0+$0xC880];
	s12 =	sadd.s32 s17, s7;
	s14 =	sshra.s32 s8, $0x2;
	s2 =	sand.u32 $0xFFFFFE00, s2  }
0x134: {  	s11 =	sor.u32 s11, s10;
	s15 =	sshra.s32 s9, $0x2;
	s7 =	sadd.s32 s17, s14;
	v0 =	vadd.f32 v48, v0  }
0x135: {  	s9 =	sadd.s32 $0x10, s18;
	s10 =	sadd.s32 $0x10, s21;
	v51 =	vld [tilespmem:s12+$0xD080];
	s14 =	sadd.s32 $0x10, s31  }
0x136: {  	s8 =	sadd.s32 s17, s15;
	s19 =	sshra.s32 s11, $0x2;
	s20 =	sand.u32 $0x7F, s9;
	v0 =	vadd.f32 v49, v0  }
0x137: {  	s9 =	sshll.u32 s9, $0x2;
	s22 =	sand.u32 $0x7F, s10;
	s24 =	sshll.u32 s10, $0x2;
	v52 =	vld [tilespmem:s7+$0xD880]  }
0x138: {  	s7 =	sshll.u32 s26, $0x2;
	s15 =	sand.u32 $0x7F, s14;
	s9 =	sand.u32 $0xFFFFFE00, s9;
	v0 =	vadd.f32 v50, v0  }
0x139: {  	s3 =	sshll.u32 s20, $0x2;
	s5 =	sshll.u32 s22, $0x2;
	v53 =	vld [tilespmem:s8+$0xE080];
	s0 =	sadd.s32 s17, s19  }
0x13a: {  	s8 =	sshll.u32 s29, $0x2;
	s19 =	sand.u32 $0x7F, s1;
	s3 =	sor.u32 s3, s9;
	v0 =	vadd.f32 v51, v0  }
0x13b: {  	s1 =	sshll.u32 s1, $0x2;
	s9 =	sand.u32 $0xFFFFFE00, s24;
	v54 =	vld [tilespmem:s0+$0xE880];
	s3 =	sshra.s32 s3, $0x2  }
0x13c: {  	s30 =	sor.u32 s8, s2;
	s5 =	sor.u32 s5, s9;
	s2 =	sadd.s32 s17, s3;
	v0 =	vadd.f32 v52, v0  }
0x13d: {  	s1 =	sand.u32 $0xFFFFFE00, s1;
	s9 =	sand.u32 $0xFFFFFE00, s28;
	s5 =	sshra.s32 s5, $0x2;
	v55 =	vld [tilespmem:s2+$0xF080]  }
0x13e: {  	s7 =	sor.u32 s7, s9;
	s9 =	rddreg [dreg:$0xc];
	s3 =	sadd.s32 s17, s5;
	v0 =	vadd.f32 v53, v0  }
0x13f: {  	s21 =	sshll.u32 s19, $0x2;
	s7 =	sshra.s32 s7, $0x2;
	s5 =	sadd.s32 $0x10, s9;
	v56 =	vld [tilespmem:s3+$0xF880]  }
0x140: {  	s8 =	sadd.s32 s17, s7;
	s10 =	sand.u32 $0x7F, s5;
	s5 =	sshll.u32 s5, $0x2;
	v0 =	vadd.f32 v54, v0  }
0x141: {  	s0 =	sshra.s32 s30, $0x2;
	s11 =	sand.u32 $0xFFFFFE00, s5;
	s12 =	sshll.u32 s10, $0x2;
	v57 =	vld [tilespmem:s8+$0x10080]  }
0x142: {  	s0 =	sadd.s32 s17, s0;
	s7 =	sshll.u32 s14, $0x2;
	s3 =	sor.u32 s12, s11;
	v0 =	vadd.f32 v55, v0  }
0x143: {  	v58 =	vld [tilespmem:s0+$0x10880];
	s18 =	sand.u32 $0xFFFFFE00, s7;
	s5 =	sshll.u32 s15, $0x2;
	s20 =	sshra.s32 s3, $0x2  }
0x144: {  	s24 =	sand.u32 $0x7F, s23;
	s2 =	sor.u32 s5, s18;
	s0 =	sadd.s32 s17, s20;
	v0 =	vadd.f32 v56, v0  }
0x145: {  	s1 =	sor.u32 s21, s1;
	s26 =	sshll.u32 s24, $0x2;
	s2 =	sshra.s32 s2, $0x2;
	v59 =	vld [tilespmem:s0+$0x11080]  }
0x146: {  	s28 =	sadd.s32 $0x10, s4;
	s22 =	sadd.s32 s17, s2;
	s2 =	sshll.u32 s23, $0x2;
	v0 =	vadd.f32 v57, v0  }
0x147: {  	s1 =	sshra.s32 s1, $0x2;
	s29 =	sand.u32 $0x7F, s28;
	v60 =	vld [tilespmem:s22+$0x11880];
	s25 =	sand.u32 $0xFFFFFE00, s2  }
0x148: {  	s1 =	sadd.s32 s17, s1;
	s3 =	sshll.u32 s28, $0x2;
	s0 =	sor.u32 s26, s25;
	v0 =	vadd.f32 v58, v0  }
0x149: {  	v61 =	vld [tilespmem:s1+$0x12080];
	s30 =	sand.u32 $0xFFFFFE00, s3;
	s2 =	sshll.u32 s29, $0x2;
	s0 =	sshra.s32 s0, $0x2  }
0x14a: {  	s1 =	sor.u32 s2, s30;
	s0 =	sadd.s32 s17, s0;
	v0 =	vadd.f32 v59, v0  }
0x14b: {  	s31 =	sshra.s32 s1, $0x2;
	v62 =	vld [tilespmem:s0+$0x12880]  }
0x14c: {  	s0 =	sadd.s32 s17, s31;
	v0 =	vadd.f32 v60, v0  }
0x14d: {  	v63 =	vld [tilespmem:s0+$0x13080]  }
0x14e: {  	v0 =	vadd.f32 v61, v0  }
0x14f: {  	p0 =	sne.s32 s16, $0x1E00  }
.Ltmp1:
0x150: {  	v0 =	vadd.f32 v62, v0;
	(pc) =	sbr.rel @p0 .LBB2_5-.Ltmp1, $3  }
0x151: {  	_ = 	snop  }
0x152: {  	v0 =	vadd.f32 v63, v0;
	_ =	sdelay $0x1  }
0x153: {  	s13 =	sadd.s32 $0x1A, s13;
	s16 =	sadd.s32 $0x200, s16;
	[tilespmem:s6+$0x0] =	vst v0;
	s6 =	sadd.s32 $0x20, s6  }
0x154: {  	s3 =	rddreg [dreg:$0x9]  }
0x155: {  	s1 =	rddreg [dreg:$0x6];
	s0 =	sshll.u32 s3, $0x6;
	s3 =	sadd.s32 $0x1, s3  }
0x156: {  	s30 =	simm.s32 $0x0;
	s2 =	simm.s32 $0x13880;
	p0 =	sne.s32 s3, $0x20  }
.Ltmp2:
0x157: {  	s31 =	simm.s32 $0x2;
	s0 =	sadd.s32 s0, s1;
	(pc) =	sbr.rel @p0 .LBB2_4-.Ltmp2, $4  }
0x158: {  	[hbm4b:s0+s30] =	stream.linear.scatter [tilespmem:s2], [sflag:$0x2], $0x200, $0x38;
	[tilespmem:$0x13A80] =	vst v63  }
0x159: {  	_ =	swait.ge [sflag:s31], $0x200  }
0x15a: {  	[sflag:s31] =	ssyncset.done $0x0;
	s13 =	rddreg [dreg:$0xa]  }
0x15b: {  	[sflag:s31] =	ssyncadd.s32 $0xFFFFFE00;
	s13 =	sadd.s32 $0x1A0, s13  }
0x15c: {  	s1 =	rddreg [dreg:$0x8]  }
0x15d: {  	s0 =	rddreg [dreg:$0x7];
	s1 =	sadd.s32 $0x1, s1  }
0x15e: {  	p0 =	sne.s32 s1, s0  }
.Ltmp3:
0x15f: {  	_ = 	snop;
	(pc) =	sbr.rel @p0 .LBB2_1-.Ltmp3, $1  }
0x160: {  	_ =	sdelay $0x3  }
0x161: {  	_ =	sfence.sel $0x180000  }
0x162: {  	[bflag:$0x0] =	sbarrier.arrive $0xFFFF  }
0x163: {  	_ =	strace $0x90000047  }
0x164: {  	s0 =	stileid.u32;
	[bflag:$0x2] =	sbarrier.arrive $0xFFFF  }
0x165: {  	p0 =	sne.s32 s0, $0x0;
	s0 =	rddreg [dreg:$0x2]  }
0x166: {  	s0 =	sadd.s32 @!p0 $0x100000, s0  }
0x167: {  	[sflag:s0] =	ssyncadd.tile.s32 @!p0 $0x1;
	_ =	shalt  }
.Lfunc_end2:
_tile_overlayer_lowered:
.L_overlay_start_2:
0x168: {  	(tag) =	ssettag $0x2  }
0x169: {  	s0 =	rddreg [dreg:$0x0];
	s2 =	stileid.u32  }
0x16a: {  	s1 =	rddreg [dreg:$0x1];
	p0 =	sne.s32 s2, $0x0  }
0x16b: {  	s3 =	rddreg [dreg:$0x2];
	[bflag:$0x3] =	sbarrier.arrive $0xFFFF;
	s2 =	simm.s32 @!p0 $0x1C02  }
0x16c: {  	[timem:s3], [sflag:s2] =	dma.local @!p0 [hbm:s0], s1  }
0x16d: {  	s0 =	simm.s32 @!p0 $0x2  }
0x16e: {  	_ =	swait.ge @!p0 [sflag:s0], s1  }
0x16f: {  	s1 =	ssub.s32 @!p0 $0x0, s1;
	[sflag:s0] =	ssyncset.done @!p0 $0x0  }
0x170: {  	[sflag:s0] =	ssyncadd.s32 @!p0 s1  }
0x171: {  	[bflag:$0x3] =	sbarrier.arrive $0xFFFF  }
0x172: {  	_ =	shalt  }

</sc_bundles>
